<compile_context>
chip_gen: v7x
topology: tpu7x:2x2x1
jax: 0.10.2.dev20260603
libtpu: 0.0.44.dev20260713+nightly
codegen_flags: <defaults>
</compile_context>

<pallas_src>
import functools

import jax
import jax.numpy as jnp
import numpy as np
from jax import lax
from jax.experimental import pallas as pl
from jax.experimental.pallas import tpu as pltpu
from jax.experimental.pallas import tpu_sc as plsc

_K = 50000
_M = 600000
_N = 100000
_E = 2000000
_HEADS = 2
_HD = 32
_D = 64
_IN = 128
_TD = 32

_NW = 32
_CH = 128
_NCH_N = 13
_KP = _NW * _NCH_N * _CH
_NCH_E = 147
_MP = _NW * _NCH_E * _CH
_NCH_S = 294
_HALF = _K // 2
_ACC = _HALF + 8
_SRCW = 144

_EBLK = 2048
_NBLK = 1000

_mesh = plsc.VectorSubcoreMesh(core_axis_name="c", subcore_axis_name="s")
_sc_params = pltpu.CompilerParams(use_tc_tiling_on_sc=False)


def _cos_coeffs():
    f = np.linspace(-0.5, 0.5, 20001)
    a = np.stack([(f * f) ** p for p in range(7)], axis=1)
    c, *_ = np.linalg.lstsq(a, np.cos(2 * np.pi * f), rcond=None)
    return [np.float32(v) for v in c]


_COS_C = _cos_coeffs()
_ROUND_MAGIC = np.float32(12582912.0)
_INV_2PI = np.float32(1.0 / (2.0 * np.pi))


def _fast_cos_2pi_arg(ang):
    u = ang * _INV_2PI
    n = (u + _ROUND_MAGIC) - _ROUND_MAGIC
    f = u - n
    x2 = f * f
    acc = _COS_C[6]
    for c in (_COS_C[5], _COS_C[4], _COS_C[3], _COS_C[2], _COS_C[1], _COS_C[0]):
        acc = acc * x2 + c
    return acc



@functools.partial(
    pl.kernel, mesh=_mesh,
    out_type=[
        jax.ShapeDtypeStruct((_KP, _IN), jnp.float32),
        jax.ShapeDtypeStruct((_KP,), jnp.float32),
    ],
    scratch_types=[
        pltpu.VMEM((_CH,), jnp.int32),
        pltpu.VMEM((_CH, _D), jnp.float32),
        pltpu.VMEM((_CH, _D), jnp.float32),
        pltpu.VMEM((_CH,), jnp.float32),
        pltpu.SemaphoreType.DMA,
        pltpu.SemaphoreType.DMA,
        pltpu.SemaphoreType.DMA,
    ],
    compiler_params=_sc_params,
)
def _sc_nodegather(nid_ref, mem_ref, feat_ref, lu_ref,
                   xo_ref, luo_ref,
                   idx_v, bm_v, bf_v, bl_v, sem1, sem2, sem3):
    c = lax.axis_index("c")
    s = lax.axis_index("s")
    wid = s * 2 + c

    def chunk(i, carry):
        base = (wid * _NCH_N + i) * _CH
        pltpu.sync_copy(nid_ref.at[pl.ds(base, _CH)], idx_v)
        g1 = pltpu.async_copy(mem_ref.at[idx_v], bm_v, sem1)
        g2 = pltpu.async_copy(feat_ref.at[idx_v], bf_v, sem2)
        g3 = pltpu.async_copy(lu_ref.at[idx_v], bl_v, sem3)
        g1.wait()
        g2.wait()
        g3.wait()
        pltpu.sync_copy(bm_v, xo_ref.at[pl.ds(base, _CH), pl.ds(0, _D)])
        pltpu.sync_copy(bf_v, xo_ref.at[pl.ds(base, _CH), pl.ds(_D, _D)])
        pltpu.sync_copy(bl_v, luo_ref.at[pl.ds(base, _CH)])
        return carry

    lax.fori_loop(0, _NCH_N, chunk, 0)


@functools.partial(
    pl.kernel, mesh=_mesh,
    out_type=[
        jax.ShapeDtypeStruct((_MP, _SRCW), jnp.float32),
        jax.ShapeDtypeStruct((_MP, _D), jnp.float32),
        jax.ShapeDtypeStruct((_MP, 16), jnp.float32),
        jax.ShapeDtypeStruct((_MP,), jnp.float32),
    ],
    scratch_types=[
        pltpu.VMEM((_CH,), jnp.int32),
        pltpu.VMEM((_CH,), jnp.int32),
        pltpu.VMEM((_CH,), jnp.int32),
        pltpu.VMEM((_CH, _SRCW), jnp.float32),
        pltpu.VMEM((_CH, _D), jnp.float32),
        pltpu.VMEM((_CH, 16), jnp.float32),
        pltpu.VMEM((_CH,), jnp.float32),
        pltpu.SemaphoreType.DMA,
        pltpu.SemaphoreType.DMA,
        pltpu.SemaphoreType.DMA,
        pltpu.SemaphoreType.DMA,
    ],
    compiler_params=_sc_params,
)
def _sc_edgegather(srcp_ref, dstp_ref, eidp_ref, srct_ref, q_ref,
                   msgt_ref, et_ref,
                   srcg_ref, qi_ref, msg_ref, tt_ref,
                   is_v, id_v, ie_v, bs_v, bq_v, bm_v, bt_v,
                   sem1, sem2, sem3, sem4):
    c = lax.axis_index("c")
    s = lax.axis_index("s")
    wid = s * 2 + c

    def chunk(i, carry):
        base = (wid * _NCH_E + i) * _CH
        l1 = pltpu.async_copy(srcp_ref.at[pl.ds(base, _CH)], is_v, sem1)
        l2 = pltpu.async_copy(dstp_ref.at[pl.ds(base, _CH)], id_v, sem2)
        l3 = pltpu.async_copy(eidp_ref.at[pl.ds(base, _CH)], ie_v, sem3)
        l1.wait()
        l2.wait()
        l3.wait()
        g1 = pltpu.async_copy(srct_ref.at[is_v], bs_v, sem1)
        g2 = pltpu.async_copy(q_ref.at[id_v], bq_v, sem2)
        g3 = pltpu.async_copy(msgt_ref.at[ie_v], bm_v, sem3)
        g4 = pltpu.async_copy(et_ref.at[ie_v], bt_v, sem4)
        g1.wait()
        g2.wait()
        g3.wait()
        g4.wait()
        w1 = pltpu.async_copy(bs_v, srcg_ref.at[pl.ds(base, _CH)], sem1)
        w2 = pltpu.async_copy(bq_v, qi_ref.at[pl.ds(base, _CH)], sem2)
        w3 = pltpu.async_copy(bm_v, msg_ref.at[pl.ds(base, _CH)], sem3)
        w4 = pltpu.async_copy(bt_v, tt_ref.at[pl.ds(base, _CH)], sem4)
        w1.wait()
        w2.wait()
        w3.wait()
        w4.wait()
        return carry

    lax.fori_loop(0, _NCH_E, chunk, 0)


@functools.partial(
    pl.kernel, mesh=_mesh,
    out_type=[
        jax.ShapeDtypeStruct((_K, _D), jnp.float32),
        jax.ShapeDtypeStruct((_K, 8), jnp.float32),
    ],
    scratch_types=[
        pltpu.VMEM((_CH,), jnp.int32),
        pltpu.VMEM((_CH,), jnp.int32),
        pltpu.VMEM((_CH, _D), jnp.float32),
        pltpu.VMEM((_CH, 8), jnp.float32),
        pltpu.VMEM_SHARED((_ACC, _D), jnp.float32),
        pltpu.VMEM_SHARED((_ACC, 8), jnp.float32),
        pltpu.SemaphoreType.DMA,
        pltpu.SemaphoreType.DMA,
        pltpu.SemaphoreType.DMA,
    ],
    compiler_params=_sc_params,
)
def _sc_scatteradd(dstp_ref, c_ref, exc_ref, z64_ref, z8_ref,
                   cs_ref, exs_ref,
                   id_v, il_v, bc_v, be_v, acc64, acc8, sem1, sem2, sem3):
    c = lax.axis_index("c")
    s = lax.axis_index("s")
    lo = c * _HALF

    @pl.when(s == 0)
    def _init():
        pltpu.sync_copy(z64_ref, acc64)
        pltpu.sync_copy(z8_ref, acc8)

    plsc.subcore_barrier()

    def chunk(i, carry):
        base = (s * _NCH_S + i) * _CH
        l1 = pltpu.async_copy(dstp_ref.at[pl.ds(base, _CH)], id_v, sem1)
        l2 = pltpu.async_copy(c_ref.at[pl.ds(base, _CH)], bc_v, sem2)
        l3 = pltpu.async_copy(exc_ref.at[pl.ds(base, _CH)], be_v, sem3)
        l1.wait()
        for j in range(_CH // 16):
            d = id_v[pl.ds(j * 16, 16)]
            pos = base + j * 16 + lax.iota(jnp.int32, 16)
            valid = (pos < _M) & (d >= lo) & (d < lo + _HALF)
            il_v[pl.ds(j * 16, 16)] = jnp.where(valid, d - lo, _HALF)
        l2.wait()
        pltpu.sync_copy(bc_v, acc64.at[il_v], add=True)
        l3.wait()
        pltpu.sync_copy(be_v, acc8.at[il_v], add=True)
        return carry

    lax.fori_loop(0, _NCH_S, chunk, 0)
    plsc.subcore_barrier()

    @pl.when(s == 0)
    def _writeback():
        pltpu.sync_copy(acc64.at[pl.ds(0, _HALF)], cs_ref.at[pl.ds(lo, _HALF)])
        pltpu.sync_copy(acc8.at[pl.ds(0, _HALF)], exs_ref.at[pl.ds(lo, _HALF)])



def _proj_body(x_ref, lu_ref, wq_ref, bq_ref, wk_ref, bk_ref, wv_ref, bv_ref,
               ws_ref, bs_ref, q_ref, srct_ref, skip_ref):
    x = x_ref[...]
    q_ref[...] = jnp.dot(x, wq_ref[...].T, preferred_element_type=jnp.float32) + bq_ref[...]
    k = jnp.dot(x, wk_ref[...].T, preferred_element_type=jnp.float32) + bk_ref[...]
    v = jnp.dot(x, wv_ref[...].T, preferred_element_type=jnp.float32) + bv_ref[...]
    skip_ref[...] = jnp.dot(x, ws_ref[...].T, preferred_element_type=jnp.float32) + bs_ref[...]
    pad = jnp.zeros((_NBLK, _SRCW - 2 * _D - 1), jnp.float32)
    srct_ref[...] = jnp.concatenate([k, v, lu_ref[...], pad], axis=1)


def _projections(x, lu, Wq, bq, Wk, bk, Wv, bv, Wskip, bskip):
    blk_w = pl.BlockSpec((_D, _IN), lambda i: (0, 0))
    blk_b = pl.BlockSpec((_D,), lambda i: (0,))
    return pl.pallas_call(
        _proj_body,
        grid=(_K // _NBLK,),
        in_specs=[
            pl.BlockSpec((_NBLK, _IN), lambda i: (i, 0)),
            pl.BlockSpec((_NBLK, 1), lambda i: (i, 0)),
            blk_w, blk_b, blk_w, blk_b, blk_w, blk_b, blk_w, blk_b,
        ],
        out_specs=[
            pl.BlockSpec((_NBLK, _D), lambda i: (i, 0)),
            pl.BlockSpec((_NBLK, _SRCW), lambda i: (i, 0)),
            pl.BlockSpec((_NBLK, _D), lambda i: (i, 0)),
        ],
        out_shape=[
            jax.ShapeDtypeStruct((_K, _D), jnp.float32),
            jax.ShapeDtypeStruct((_K, _SRCW), jnp.float32),
            jax.ShapeDtypeStruct((_K, _D), jnp.float32),
        ],
    )(x, lu, Wq, bq, Wk, bk, Wv, bv, Wskip, bskip)


def _edge_body(srcg_ref, qi_ref, msg_ref, tt_ref, wtt_ref, wtm_ref,
               tw_ref, tb_ref, c_ref, exc_ref):
    srcg = srcg_ref[...]
    ks = srcg[:, :_D]
    vs = srcg[:, _D:2 * _D]
    lus = srcg[:, 2 * _D:2 * _D + 1]
    tt = tt_ref[...].reshape(_EBLK, 1)
    ang = (tt - lus) * tw_ref[...] + tb_ref[...]
    tenc = _fast_cos_2pi_arg(ang)
    e = (jnp.dot(tenc, wtt_ref[...], preferred_element_type=jnp.float32)
         + jnp.dot(msg_ref[...], wtm_ref[...], preferred_element_type=jnp.float32))
    kj = ks + e
    q = qi_ref[...]
    scale = np.float32(1.0 / np.sqrt(_HD))
    al0 = jnp.sum(q[:, :_HD] * kj[:, :_HD], axis=1, keepdims=True) * scale
    al1 = jnp.sum(q[:, _HD:] * kj[:, _HD:], axis=1, keepdims=True) * scale
    ex0 = jnp.exp(al0)
    ex1 = jnp.exp(al1)
    ve = vs + e
    c_ref[...] = jnp.concatenate([ve[:, :_HD] * ex0, ve[:, _HD:] * ex1], axis=1)
    exc_ref[...] = jnp.concatenate(
        [ex0, ex1, jnp.zeros((_EBLK, 6), jnp.float32)], axis=1)


def _edgecompute(srcg, qi, msg, tt, wtt, wtm, tw, tb):
    return pl.pallas_call(
        _edge_body,
        grid=(_MP // _EBLK,),
        in_specs=[
            pl.BlockSpec((_EBLK, _SRCW), lambda i: (i, 0)),
            pl.BlockSpec((_EBLK, _D), lambda i: (i, 0)),
            pl.BlockSpec((_EBLK, 16), lambda i: (i, 0)),
            pl.BlockSpec((_EBLK,), lambda i: (i,)),
            pl.BlockSpec((_TD, _D), lambda i: (0, 0)),
            pl.BlockSpec((16, _D), lambda i: (0, 0)),
            pl.BlockSpec((1, _TD), lambda i: (0, 0)),
            pl.BlockSpec((1, _TD), lambda i: (0, 0)),
        ],
        out_specs=[
            pl.BlockSpec((_EBLK, _D), lambda i: (i, 0)),
            pl.BlockSpec((_EBLK, 8), lambda i: (i, 0)),
        ],
        out_shape=[
            jax.ShapeDtypeStruct((_MP, _D), jnp.float32),
            jax.ShapeDtypeStruct((_MP, 8), jnp.float32),
        ],
    )(srcg, qi, msg, tt, wtt, wtm, tw, tb)


def _final_body(cs_ref, exs_ref, skip_ref, o_ref):
    cs = cs_ref[...]
    den0 = exs_ref[:, 0:1] + 1e-16
    den1 = exs_ref[:, 1:2] + 1e-16
    o_ref[...] = jnp.concatenate(
        [cs[:, :_HD] / den0, cs[:, _HD:] / den1], axis=1) + skip_ref[...]


def _finalize(cs, exs, skip):
    return pl.pallas_call(
        _final_body,
        grid=(_K // _NBLK,),
        in_specs=[
            pl.BlockSpec((_NBLK, _D), lambda i: (i, 0)),
            pl.BlockSpec((_NBLK, 8), lambda i: (i, 0)),
            pl.BlockSpec((_NBLK, _D), lambda i: (i, 0)),
        ],
        out_specs=pl.BlockSpec((_NBLK, _D), lambda i: (i, 0)),
        out_shape=jax.ShapeDtypeStruct((_K, _D), jnp.float32),
    )(cs, exs, skip)



def kernel(n_id, edge_index_block, e_id_block, t_targets, node_feat,
           edge_raw_msg, edge_t, memory, last_update, time_w, time_b,
           Wq, bq, Wk, bk, Wv, bv, We, Wskip, bskip):
    n_id = n_id.astype(jnp.int32)
    src = edge_index_block[0].astype(jnp.int32)
    dst = edge_index_block[1].astype(jnp.int32)
    eid = e_id_block.astype(jnp.int32)

    nid_p = jnp.pad(n_id, (0, _KP - _K))
    srcp = jnp.pad(src, (0, _MP - _M))
    dstp = jnp.pad(dst, (0, _MP - _M))
    eidp = jnp.pad(eid, (0, _MP - _M))

    x, lu = _sc_nodegather(nid_p, memory, node_feat, last_update)
    q, srct, skip = _projections(x[:_K], lu[:_K, None],
                                 Wq, bq, Wk, bk, Wv, bv, Wskip, bskip)

    srcg, qi, msg, tt = _sc_edgegather(srcp, dstp, eidp, srct, q,
                                       edge_raw_msg, edge_t)

    wet = We.T
    wtt = wet[:_TD]
    wtm = wet[_TD:]
    tw = time_w[:, 0][None, :]
    tb = time_b[None, :]
    cmat, exc = _edgecompute(srcg, qi, msg, tt, wtt, wtm, tw, tb)

    z64 = jnp.zeros((_ACC, _D), jnp.float32)
    z8 = jnp.zeros((_ACC, 8), jnp.float32)
    cs, exs = _sc_scatteradd(dstp, cmat, exc, z64, z8)

    return _finalize(cs, exs, skip)

# --- scband reference (transcript-rebuilt; emitter-appended) ---
"""Pipeline reference for scband-tgn-78176994721831 (READ-ONLY COPY).

The authoritative reference and input builder live on the scoring server;
editing this copy changes nothing except your own understanding.
"""

import jax, jax.numpy as jnp
import numpy as np

K = 50000
M = 600000
N = 100000
E_TOTAL = 2000000
NODE_FEAT_DIM = 64
MSG_DIM = 16
MEMORY_DIM = 64
TIME_DIM = 32
EMBED_DIM = 64
HEADS = 2
HEAD_DIM = EMBED_DIM // HEADS
IN_DIM = MEMORY_DIM + NODE_FEAT_DIM
EDGE_DIM = MSG_DIM + TIME_DIM


def _linear_params(key, out_dim, in_dim, bias=True):
    k1, k2 = jax.random.split(key)
    bound = 1.0 / np.sqrt(in_dim)
    W = jax.random.uniform(k1, (out_dim, in_dim), minval=-bound, maxval=bound, dtype=jnp.float32)
    if bias:
        b = jax.random.uniform(k2, (out_dim,), minval=-bound, maxval=bound, dtype=jnp.float32)
        return W, b
    return W, None


def setup_inputs(seed: int = 0):
    key = jax.random.key(seed)
    ks = jax.random.split(key, 16)
    inp = {}
    inp["n_id"] = jax.random.randint(ks[0], (K,), 0, N)
    inp["edge_index_block"] = jax.random.randint(ks[1], (2, M), 0, K)
    inp["e_id_block"] = jax.random.randint(ks[2], (M,), 0, E_TOTAL)
    inp["t_targets"] = jax.random.uniform(ks[3], (K,), dtype=jnp.float32) * 1000.0
    inp["node_feat"] = jax.random.normal(ks[4], (N, NODE_FEAT_DIM), dtype=jnp.float32)
    inp["edge_raw_msg"] = jax.random.normal(ks[5], (E_TOTAL, MSG_DIM), dtype=jnp.float32)
    inp["edge_t"] = jax.random.uniform(ks[6], (E_TOTAL,), dtype=jnp.float32) * 1000.0
    inp["memory"] = jax.random.normal(ks[7], (N, MEMORY_DIM), dtype=jnp.float32)
    inp["last_update"] = jax.random.uniform(ks[8], (N,), dtype=jnp.float32) * 500.0
    inp["time_w"], inp["time_b"] = _linear_params(ks[9], TIME_DIM, 1)
    inp["Wq"], inp["bq"] = _linear_params(ks[10], HEADS * HEAD_DIM, IN_DIM)
    inp["Wk"], inp["bk"] = _linear_params(ks[11], HEADS * HEAD_DIM, IN_DIM)
    inp["Wv"], inp["bv"] = _linear_params(ks[12], HEADS * HEAD_DIM, IN_DIM)
    We, _ = _linear_params(ks[13], HEADS * HEAD_DIM, EDGE_DIM, bias=False)
    inp["We"] = We
    inp["Wskip"], inp["bskip"] = _linear_params(ks[14], HEADS * HEAD_DIM, IN_DIM)
    return inp


def reference(n_id, edge_index_block, e_id_block, t_targets, node_feat, edge_raw_msg, edge_t,
              memory, last_update, time_w, time_b, Wq, bq, Wk, bk, Wv, bv, We, Wskip, bskip):
    # TGNMemory lookup: memory state + last_update for the batch nodes
    mem = memory[n_id]                              # [K, MEMORY_DIM] gather
    lu = last_update[n_id]                          # [K] gather
    x = jnp.concatenate([mem, node_feat[n_id]], axis=-1)  # [K, IN_DIM]
    # gather raw messages / timestamps for the sampled block edges
    msg = edge_raw_msg[e_id_block]                  # [M, MSG_DIM]
    t_blk = edge_t[e_id_block]                      # [M]
    src = edge_index_block[0]
    dst = edge_index_block[1]
    # relative time encoding: cos(w * dt + b)
    rel_t = t_blk - lu[src]
    t_enc = jnp.cos(rel_t[:, None] * time_w[:, 0][None, :] + time_b[None, :])  # [M, TIME_DIM]
    edge_attr = jnp.concatenate([t_enc, msg], axis=-1)  # [M, EDGE_DIM]
    # TransformerConv (PyG semantics: concat=True, root_weight=True, beta=False)
    q = (x @ Wq.T + bq).reshape(K, HEADS, HEAD_DIM)
    k = (x @ Wk.T + bk).reshape(K, HEADS, HEAD_DIM)
    v = (x @ Wv.T + bv).reshape(K, HEADS, HEAD_DIM)
    e = (edge_attr @ We.T).reshape(M, HEADS, HEAD_DIM)
    k_j = k[src] + e
    q_i = q[dst]
    alpha = jnp.sum(q_i * k_j, axis=-1) / np.sqrt(HEAD_DIM)   # [M, HEADS]
    amax = jax.ops.segment_max(alpha, dst, num_segments=K)
    amax = jnp.where(jnp.isfinite(amax), amax, 0.0)
    ex = jnp.exp(alpha - amax[dst])
    denom = jax.ops.segment_sum(ex, dst, num_segments=K)
    attn = ex / (denom[dst] + 1e-16)
    out = jax.ops.segment_sum((v[src] + e) * attn[:, :, None], dst, num_segments=K)
    out = out.reshape(K, HEADS * HEAD_DIM)
    out = out + x @ Wskip.T + bskip
    return out

if __name__ == "__main__":
    import jax
    _d = setup_inputs()
    print(jax.jit(kernel)(*tuple(_d.values())))

</pallas_src>

<mosaic_0001>
#map = affine_map<(d0, d1) -> (0)>
#map1 = affine_map<(d0, d1) -> (0, 0)>
module attributes {stable_mosaic.version = 14 : i64} {
  func.func @_sc_scatteradd(%arg0: i32, %arg1: i32, %arg2: memref<602112xi32, #tpu.memory_space<hbm>>, %arg3: memref<602112x64xf32, #tpu.memory_space<hbm>>, %arg4: memref<602112x8xf32, #tpu.memory_space<hbm>>, %arg5: memref<25008x64xf32, #tpu.memory_space<hbm>>, %arg6: memref<25008x8xf32, #tpu.memory_space<hbm>>, %arg7: memref<50000x64xf32, #tpu.memory_space<hbm>>, %arg8: memref<50000x8xf32, #tpu.memory_space<hbm>>, %arg9: memref<128xi32, #tpu.memory_space<vmem>>, %arg10: memref<128xi32, #tpu.memory_space<vmem>>, %arg11: memref<128x64xf32, #tpu.memory_space<vmem>>, %arg12: memref<128x8xf32, #tpu.memory_space<vmem>>, %arg13: memref<25008x64xf32, #tpu.memory_space<vmem_shared>>, %arg14: memref<25008x8xf32, #tpu.memory_space<vmem_shared>>, %arg15: memref<!tpu.dma_semaphore, #tpu.memory_space<semaphore_mem>>, %arg16: memref<!tpu.dma_semaphore, #tpu.memory_space<semaphore_mem>>, %arg17: memref<!tpu.dma_semaphore, #tpu.memory_space<semaphore_mem>>) attributes {dimension_semantics = [#tpu.dimension_semantics<core_parallel>, #tpu.dimension_semantics<subcore_parallel>], iteration_bounds = array<i64: 2, 16>, scalar_prefetch = 0 : i64, scratch_operands = 9 : i64, tpu.core_type = #tpu.core_type<sc_vector_subcore>, window_params = [{transform_indices = #map}, {transform_indices = #map1}, {transform_indices = #map1}, {transform_indices = #map1}, {transform_indices = #map1}, {transform_indices = #map1}, {transform_indices = #map1}]} {
    %mul3A = arith.constant 25000 : i32
    %mul3A_0 = arith.muli %arg0, %mul3A : i32
    %eq3A = arith.constant 0 : i32
    %eq3A_1 = arith.cmpi eq, %arg1, %eq3A : i32
    %convert_element_type3A = arith.extui %eq3A_1 : i1 to i32
    %cond3A = arith.constant 0 : i32
    %cond3A_2 = arith.cmpi ne, %convert_element_type3A, %cond3A : i32
    scf.if %cond3A_2 {
      "tpu.region"() ({
        %run_scoped3A = tpu.sem_alloc : memref<!tpu.dma_semaphore, #tpu.memory_space<semaphore_mem>>
        tpu.enqueue_dma source(%arg5 : memref<25008x64xf32, #tpu.memory_space<hbm>>) target(%arg13 : memref<25008x64xf32, #tpu.memory_space<vmem_shared>>) target_semaphore(%run_scoped3A : memref<!tpu.dma_semaphore, #tpu.memory_space<semaphore_mem>>)
        tpu.wait_dma2 semaphore(%run_scoped3A : memref<!tpu.dma_semaphore, #tpu.memory_space<semaphore_mem>>) src(%arg5 : memref<25008x64xf32, #tpu.memory_space<hbm>>) dst(%arg13 : memref<25008x64xf32, #tpu.memory_space<vmem_shared>>)
        tpu.yield
      }) : () -> ()
      "tpu.region"() ({
        %run_scoped3A = tpu.sem_alloc : memref<!tpu.dma_semaphore, #tpu.memory_space<semaphore_mem>>
        tpu.enqueue_dma source(%arg6 : memref<25008x8xf32, #tpu.memory_space<hbm>>) target(%arg14 : memref<25008x8xf32, #tpu.memory_space<vmem_shared>>) target_semaphore(%run_scoped3A : memref<!tpu.dma_semaphore, #tpu.memory_space<semaphore_mem>>)
        tpu.wait_dma2 semaphore(%run_scoped3A : memref<!tpu.dma_semaphore, #tpu.memory_space<semaphore_mem>>) src(%arg6 : memref<25008x8xf32, #tpu.memory_space<hbm>>) dst(%arg14 : memref<25008x8xf32, #tpu.memory_space<vmem_shared>>)
        tpu.yield
      }) : () -> ()
    } else {
    }
    %barrier3A = arith.constant 0 : index
    tpu.barrier barrier_id(%barrier3A)
    %scan3A = arith.constant 0 : i32
    %scan3A_3 = arith.constant 0 : i32
    %scan3A_4 = arith.constant 294 : i32
    %scan3A_5 = arith.addi %scan3A_3, %scan3A_4 : i32
    %scan3A_6 = arith.constant 1 : i32
    scf.for %scan3A_14 = %scan3A_3 to %scan3A_5 step %scan3A_6  : i32 {
      %mul3A_15 = arith.constant 294 : i32
      %mul3A_16 = arith.muli %arg1, %mul3A_15 : i32
      %add3A = arith.addi %mul3A_16, %scan3A_14 : i32
      %mul3A_17 = arith.constant 128 : i32
      %mul3A_18 = arith.muli %add3A, %mul3A_17 : i32
      %dma_start3A = tpu.memref_slice %arg2[%mul3A_18] : memref<602112xi32, #tpu.memory_space<hbm>> -> memref<128xi32, #tpu.memory_space<hbm>>
      %dma_start3A_19 = tpu.memref_slice %arg2[%mul3A_18] : memref<602112xi32, #tpu.memory_space<hbm>> -> memref<128xi32, #tpu.memory_space<hbm>>
      tpu.enqueue_dma source(%dma_start3A_19 : memref<128xi32, #tpu.memory_space<hbm>>) target(%arg9 : memref<128xi32, #tpu.memory_space<vmem>>) target_semaphore(%arg15 : memref<!tpu.dma_semaphore, #tpu.memory_space<semaphore_mem>>)
      %dma_start3A_20 = arith.constant 0 : i32
      %dma_start3A_21 = tpu.memref_slice %arg3[%mul3A_18, %dma_start3A_20] : memref<602112x64xf32, #tpu.memory_space<hbm>> -> memref<128x64xf32, #tpu.memory_space<hbm>>
      %dma_start3A_22 = arith.constant 0 : i32
      %dma_start3A_23 = tpu.memref_slice %arg3[%mul3A_18, %dma_start3A_22] : memref<602112x64xf32, #tpu.memory_space<hbm>> -> memref<128x64xf32, #tpu.memory_space<hbm>>
      tpu.enqueue_dma source(%dma_start3A_23 : memref<128x64xf32, #tpu.memory_space<hbm>>) target(%arg11 : memref<128x64xf32, #tpu.memory_space<vmem>>) target_semaphore(%arg16 : memref<!tpu.dma_semaphore, #tpu.memory_space<semaphore_mem>>)
      %dma_start3A_24 = arith.constant 0 : i32
      %dma_start3A_25 = tpu.memref_slice %arg4[%mul3A_18, %dma_start3A_24] : memref<602112x8xf32, #tpu.memory_space<hbm>> -> memref<128x8xf32, #tpu.memory_space<hbm>>
      %dma_start3A_26 = arith.constant 0 : i32
      %dma_start3A_27 = tpu.memref_slice %arg4[%mul3A_18, %dma_start3A_26] : memref<602112x8xf32, #tpu.memory_space<hbm>> -> memref<128x8xf32, #tpu.memory_space<hbm>>
      tpu.enqueue_dma source(%dma_start3A_27 : memref<128x8xf32, #tpu.memory_space<hbm>>) target(%arg12 : memref<128x8xf32, #tpu.memory_space<vmem>>) target_semaphore(%arg17 : memref<!tpu.dma_semaphore, #tpu.memory_space<semaphore_mem>>)
      %dma_wait3A = tpu.memref_slice %arg2[%mul3A_18] : memref<602112xi32, #tpu.memory_space<hbm>> -> memref<128xi32, #tpu.memory_space<hbm>>
      %dma_wait3A_28 = tpu.memref_slice %arg2[%mul3A_18] : memref<602112xi32, #tpu.memory_space<hbm>> -> memref<128xi32, #tpu.memory_space<hbm>>
      tpu.wait_dma2 semaphore(%arg15 : memref<!tpu.dma_semaphore, #tpu.memory_space<semaphore_mem>>) src(%dma_wait3A_28 : memref<128xi32, #tpu.memory_space<hbm>>) dst(%arg9 : memref<128xi32, #tpu.memory_space<vmem>>)
      %get3A = arith.constant 0 : index
      %get3A_29 = tpu.vector_load %arg9[%get3A] {strides = array<i32>} : memref<128xi32, #tpu.memory_space<vmem>>, vector<16xi32>,
      %get3A_30 = vector.shape_cast %get3A_29 : vector<16xi32> to vector<16xi32>
      %add3A_31 = arith.constant 0 : i32
      %add3A_32 = arith.addi %mul3A_18, %add3A_31 : i32
      %iota3A = tpu.iota {dimensions = array<i32: 0>} : vector<16xi32>
      %add3A_33 = vector.broadcast %add3A_32 : i32 to vector<16xi32>
      %add3A_34 = arith.addi %add3A_33, %iota3A : vector<16xi32>
      %lt3A = arith.constant 600000 : i32
      %lt3A_35 = vector.broadcast %lt3A : i32 to vector<16xi32>
      %lt3A_36 = arith.cmpi slt, %add3A_34, %lt3A_35 : vector<16xi32>
      %ge3A = vector.broadcast %mul3A_0 : i32 to vector<16xi32>
      %ge3A_37 = arith.cmpi sge, %get3A_30, %ge3A : vector<16xi32>
      %and3A = arith.andi %lt3A_36, %ge3A_37 : vector<16xi1>
      %add3A_38 = arith.constant 25000 : i32
      %add3A_39 = arith.addi %mul3A_0, %add3A_38 : i32
      %lt3A_40 = vector.broadcast %add3A_39 : i32 to vector<16xi32>
      %lt3A_41 = arith.cmpi slt, %get3A_30, %lt3A_40 : vector<16xi32>
      %and3A_42 = arith.andi %and3A, %lt3A_41 : vector<16xi1>
      %sub3A = vector.broadcast %mul3A_0 : i32 to vector<16xi32>
      %sub3A_43 = arith.subi %get3A_30, %sub3A : vector<16xi32>
      %jit3A = arith.constant 25000 : i32
      %broadcast_in_dim3A = vector.broadcast %jit3A : i32 to vector<16xi32>
      %select_n3A = arith.select %and3A_42, %sub3A_43, %broadcast_in_dim3A : vector<16xi1>, vector<16xi32>
      %swap3A = arith.constant 0 : index
      %swap3A_44 = tpu.vector_load %arg10[%swap3A] {strides = array<i32>} : memref<128xi32, #tpu.memory_space<vmem>>, vector<16xi32>,
      %swap3A_45 = vector.shape_cast %swap3A_44 : vector<16xi32> to vector<16xi32>
      %swap3A_46 = vector.shape_cast %select_n3A : vector<16xi32> to vector<16xi32>
      tpu.vector_store %arg10[%swap3A], %swap3A_46 {strides = array<i32>} : memref<128xi32, #tpu.memory_space<vmem>>, vector<16xi32>,
      %get3A_47 = arith.constant 16 : index
      %get3A_48 = tpu.vector_load %arg9[%get3A_47] {strides = array<i32>} : memref<128xi32, #tpu.memory_space<vmem>>, vector<16xi32>,
      %get3A_49 = vector.shape_cast %get3A_48 : vector<16xi32> to vector<16xi32>
      %add3A_50 = arith.constant 16 : i32
      %add3A_51 = arith.addi %mul3A_18, %add3A_50 : i32
      %iota3A_52 = tpu.iota {dimensions = array<i32: 0>} : vector<16xi32>
      %add3A_53 = vector.broadcast %add3A_51 : i32 to vector<16xi32>
      %add3A_54 = arith.addi %add3A_53, %iota3A_52 : vector<16xi32>
      %lt3A_55 = arith.constant 600000 : i32
      %lt3A_56 = vector.broadcast %lt3A_55 : i32 to vector<16xi32>
      %lt3A_57 = arith.cmpi slt, %add3A_54, %lt3A_56 : vector<16xi32>
      %ge3A_58 = vector.broadcast %mul3A_0 : i32 to vector<16xi32>
      %ge3A_59 = arith.cmpi sge, %get3A_49, %ge3A_58 : vector<16xi32>
      %and3A_60 = arith.andi %lt3A_57, %ge3A_59 : vector<16xi1>
      %add3A_61 = arith.constant 25000 : i32
      %add3A_62 = arith.addi %mul3A_0, %add3A_61 : i32
      %lt3A_63 = vector.broadcast %add3A_62 : i32 to vector<16xi32>
      %lt3A_64 = arith.cmpi slt, %get3A_49, %lt3A_63 : vector<16xi32>
      %and3A_65 = arith.andi %and3A_60, %lt3A_64 : vector<16xi1>
      %sub3A_66 = vector.broadcast %mul3A_0 : i32 to vector<16xi32>
      %sub3A_67 = arith.subi %get3A_49, %sub3A_66 : vector<16xi32>
      %jit3A_68 = arith.constant 25000 : i32
      %broadcast_in_dim3A_69 = vector.broadcast %jit3A_68 : i32 to vector<16xi32>
      %select_n3A_70 = arith.select %and3A_65, %sub3A_67, %broadcast_in_dim3A_69 : vector<16xi1>, vector<16xi32>
      %swap3A_71 = arith.constant 16 : index
      %swap3A_72 = tpu.vector_load %arg10[%swap3A_71] {strides = array<i32>} : memref<128xi32, #tpu.memory_space<vmem>>, vector<16xi32>,
      %swap3A_73 = vector.shape_cast %swap3A_72 : vector<16xi32> to vector<16xi32>
      %swap3A_74 = vector.shape_cast %select_n3A_70 : vector<16xi32> to vector<16xi32>
      tpu.vector_store %arg10[%swap3A_71], %swap3A_74 {strides = array<i32>} : memref<128xi32, #tpu.memory_space<vmem>>, vector<16xi32>,
      %get3A_75 = arith.constant 32 : index
      %get3A_76 = tpu.vector_load %arg9[%get3A_75] {strides = array<i32>} : memref<128xi32, #tpu.memory_space<vmem>>, vector<16xi32>,
      %get3A_77 = vector.shape_cast %get3A_76 : vector<16xi32> to vector<16xi32>
      %add3A_78 = arith.constant 32 : i32
      %add3A_79 = arith.addi %mul3A_18, %add3A_78 : i32
      %iota3A_80 = tpu.iota {dimensions = array<i32: 0>} : vector<16xi32>
      %add3A_81 = vector.broadcast %add3A_79 : i32 to vector<16xi32>
      %add3A_82 = arith.addi %add3A_81, %iota3A_80 : vector<16xi32>
      %lt3A_83 = arith.constant 600000 : i32
      %lt3A_84 = vector.broadcast %lt3A_83 : i32 to vector<16xi32>
      %lt3A_85 = arith.cmpi slt, %add3A_82, %lt3A_84 : vector<16xi32>
      %ge3A_86 = vector.broadcast %mul3A_0 : i32 to vector<16xi32>
      %ge3A_87 = arith.cmpi sge, %get3A_77, %ge3A_86 : vector<16xi32>
      %and3A_88 = arith.andi %lt3A_85, %ge3A_87 : vector<16xi1>
      %add3A_89 = arith.constant 25000 : i32
      %add3A_90 = arith.addi %mul3A_0, %add3A_89 : i32
      %lt3A_91 = vector.broadcast %add3A_90 : i32 to vector<16xi32>
      %lt3A_92 = arith.cmpi slt, %get3A_77, %lt3A_91 : vector<16xi32>
      %and3A_93 = arith.andi %and3A_88, %lt3A_92 : vector<16xi1>
      %sub3A_94 = vector.broadcast %mul3A_0 : i32 to vector<16xi32>
      %sub3A_95 = arith.subi %get3A_77, %sub3A_94 : vector<16xi32>
      %jit3A_96 = arith.constant 25000 : i32
      %broadcast_in_dim3A_97 = vector.broadcast %jit3A_96 : i32 to vector<16xi32>
      %select_n3A_98 = arith.select %and3A_93, %sub3A_95, %broadcast_in_dim3A_97 : vector<16xi1>, vector<16xi32>
      %swap3A_99 = arith.constant 32 : index
      %swap3A_100 = tpu.vector_load %arg10[%swap3A_99] {strides = array<i32>} : memref<128xi32, #tpu.memory_space<vmem>>, vector<16xi32>,
      %swap3A_101 = vector.shape_cast %swap3A_100 : vector<16xi32> to vector<16xi32>
      %swap3A_102 = vector.shape_cast %select_n3A_98 : vector<16xi32> to vector<16xi32>
      tpu.vector_store %arg10[%swap3A_99], %swap3A_102 {strides = array<i32>} : memref<128xi32, #tpu.memory_space<vmem>>, vector<16xi32>,
      %get3A_103 = arith.constant 48 : index
      %get3A_104 = tpu.vector_load %arg9[%get3A_103] {strides = array<i32>} : memref<128xi32, #tpu.memory_space<vmem>>, vector<16xi32>,
      %get3A_105 = vector.shape_cast %get3A_104 : vector<16xi32> to vector<16xi32>
      %add3A_106 = arith.constant 48 : i32
      %add3A_107 = arith.addi %mul3A_18, %add3A_106 : i32
      %iota3A_108 = tpu.iota {dimensions = array<i32: 0>} : vector<16xi32>
      %add3A_109 = vector.broadcast %add3A_107 : i32 to vector<16xi32>
      %add3A_110 = arith.addi %add3A_109, %iota3A_108 : vector<16xi32>
      %lt3A_111 = arith.constant 600000 : i32
      %lt3A_112 = vector.broadcast %lt3A_111 : i32 to vector<16xi32>
      %lt3A_113 = arith.cmpi slt, %add3A_110, %lt3A_112 : vector<16xi32>
      %ge3A_114 = vector.broadcast %mul3A_0 : i32 to vector<16xi32>
      %ge3A_115 = arith.cmpi sge, %get3A_105, %ge3A_114 : vector<16xi32>
      %and3A_116 = arith.andi %lt3A_113, %ge3A_115 : vector<16xi1>
      %add3A_117 = arith.constant 25000 : i32
      %add3A_118 = arith.addi %mul3A_0, %add3A_117 : i32
      %lt3A_119 = vector.broadcast %add3A_118 : i32 to vector<16xi32>
      %lt3A_120 = arith.cmpi slt, %get3A_105, %lt3A_119 : vector<16xi32>
      %and3A_121 = arith.andi %and3A_116, %lt3A_120 : vector<16xi1>
      %sub3A_122 = vector.broadcast %mul3A_0 : i32 to vector<16xi32>
      %sub3A_123 = arith.subi %get3A_105, %sub3A_122 : vector<16xi32>
      %jit3A_124 = arith.constant 25000 : i32
      %broadcast_in_dim3A_125 = vector.broadcast %jit3A_124 : i32 to vector<16xi32>
      %select_n3A_126 = arith.select %and3A_121, %sub3A_123, %broadcast_in_dim3A_125 : vector<16xi1>, vector<16xi32>
      %swap3A_127 = arith.constant 48 : index
      %swap3A_128 = tpu.vector_load %arg10[%swap3A_127] {strides = array<i32>} : memref<128xi32, #tpu.memory_space<vmem>>, vector<16xi32>,
      %swap3A_129 = vector.shape_cast %swap3A_128 : vector<16xi32> to vector<16xi32>
      %swap3A_130 = vector.shape_cast %select_n3A_126 : vector<16xi32> to vector<16xi32>
      tpu.vector_store %arg10[%swap3A_127], %swap3A_130 {strides = array<i32>} : memref<128xi32, #tpu.memory_space<vmem>>, vector<16xi32>,
      %get3A_131 = arith.constant 64 : index
      %get3A_132 = tpu.vector_load %arg9[%get3A_131] {strides = array<i32>} : memref<128xi32, #tpu.memory_space<vmem>>, vector<16xi32>,
      %get3A_133 = vector.shape_cast %get3A_132 : vector<16xi32> to vector<16xi32>
      %add3A_134 = arith.constant 64 : i32
      %add3A_135 = arith.addi %mul3A_18, %add3A_134 : i32
      %iota3A_136 = tpu.iota {dimensions = array<i32: 0>} : vector<16xi32>
      %add3A_137 = vector.broadcast %add3A_135 : i32 to vector<16xi32>
      %add3A_138 = arith.addi %add3A_137, %iota3A_136 : vector<16xi32>
      %lt3A_139 = arith.constant 600000 : i32
      %lt3A_140 = vector.broadcast %lt3A_139 : i32 to vector<16xi32>
      %lt3A_141 = arith.cmpi slt, %add3A_138, %lt3A_140 : vector<16xi32>
      %ge3A_142 = vector.broadcast %mul3A_0 : i32 to vector<16xi32>
      %ge3A_143 = arith.cmpi sge, %get3A_133, %ge3A_142 : vector<16xi32>
      %and3A_144 = arith.andi %lt3A_141, %ge3A_143 : vector<16xi1>
      %add3A_145 = arith.constant 25000 : i32
      %add3A_146 = arith.addi %mul3A_0, %add3A_145 : i32
      %lt3A_147 = vector.broadcast %add3A_146 : i32 to vector<16xi32>
      %lt3A_148 = arith.cmpi slt, %get3A_133, %lt3A_147 : vector<16xi32>
      %and3A_149 = arith.andi %and3A_144, %lt3A_148 : vector<16xi1>
      %sub3A_150 = vector.broadcast %mul3A_0 : i32 to vector<16xi32>
      %sub3A_151 = arith.subi %get3A_133, %sub3A_150 : vector<16xi32>
      %jit3A_152 = arith.constant 25000 : i32
      %broadcast_in_dim3A_153 = vector.broadcast %jit3A_152 : i32 to vector<16xi32>
      %select_n3A_154 = arith.select %and3A_149, %sub3A_151, %broadcast_in_dim3A_153 : vector<16xi1>, vector<16xi32>
      %swap3A_155 = arith.constant 64 : index
      %swap3A_156 = tpu.vector_load %arg10[%swap3A_155] {strides = array<i32>} : memref<128xi32, #tpu.memory_space<vmem>>, vector<16xi32>,
      %swap3A_157 = vector.shape_cast %swap3A_156 : vector<16xi32> to vector<16xi32>
      %swap3A_158 = vector.shape_cast %select_n3A_154 : vector<16xi32> to vector<16xi32>
      tpu.vector_store %arg10[%swap3A_155], %swap3A_158 {strides = array<i32>} : memref<128xi32, #tpu.memory_space<vmem>>, vector<16xi32>,
      %get3A_159 = arith.constant 80 : index
      %get3A_160 = tpu.vector_load %arg9[%get3A_159] {strides = array<i32>} : memref<128xi32, #tpu.memory_space<vmem>>, vector<16xi32>,
      %get3A_161 = vector.shape_cast %get3A_160 : vector<16xi32> to vector<16xi32>
      %add3A_162 = arith.constant 80 : i32
      %add3A_163 = arith.addi %mul3A_18, %add3A_162 : i32
      %iota3A_164 = tpu.iota {dimensions = array<i32: 0>} : vector<16xi32>
      %add3A_165 = vector.broadcast %add3A_163 : i32 to vector<16xi32>
      %add3A_166 = arith.addi %add3A_165, %iota3A_164 : vector<16xi32>
      %lt3A_167 = arith.constant 600000 : i32
      %lt3A_168 = vector.broadcast %lt3A_167 : i32 to vector<16xi32>
      %lt3A_169 = arith.cmpi slt, %add3A_166, %lt3A_168 : vector<16xi32>
      %ge3A_170 = vector.broadcast %mul3A_0 : i32 to vector<16xi32>
      %ge3A_171 = arith.cmpi sge, %get3A_161, %ge3A_170 : vector<16xi32>
      %and3A_172 = arith.andi %lt3A_169, %ge3A_171 : vector<16xi1>
      %add3A_173 = arith.constant 25000 : i32
      %add3A_174 = arith.addi %mul3A_0, %add3A_173 : i32
      %lt3A_175 = vector.broadcast %add3A_174 : i32 to vector<16xi32>
      %lt3A_176 = arith.cmpi slt, %get3A_161, %lt3A_175 : vector<16xi32>
      %and3A_177 = arith.andi %and3A_172, %lt3A_176 : vector<16xi1>
      %sub3A_178 = vector.broadcast %mul3A_0 : i32 to vector<16xi32>
      %sub3A_179 = arith.subi %get3A_161, %sub3A_178 : vector<16xi32>
      %jit3A_180 = arith.constant 25000 : i32
      %broadcast_in_dim3A_181 = vector.broadcast %jit3A_180 : i32 to vector<16xi32>
      %select_n3A_182 = arith.select %and3A_177, %sub3A_179, %broadcast_in_dim3A_181 : vector<16xi1>, vector<16xi32>
      %swap3A_183 = arith.constant 80 : index
      %swap3A_184 = tpu.vector_load %arg10[%swap3A_183] {strides = array<i32>} : memref<128xi32, #tpu.memory_space<vmem>>, vector<16xi32>,
      %swap3A_185 = vector.shape_cast %swap3A_184 : vector<16xi32> to vector<16xi32>
      %swap3A_186 = vector.shape_cast %select_n3A_182 : vector<16xi32> to vector<16xi32>
      tpu.vector_store %arg10[%swap3A_183], %swap3A_186 {strides = array<i32>} : memref<128xi32, #tpu.memory_space<vmem>>, vector<16xi32>,
      %get3A_187 = arith.constant 96 : index
      %get3A_188 = tpu.vector_load %arg9[%get3A_187] {strides = array<i32>} : memref<128xi32, #tpu.memory_space<vmem>>, vector<16xi32>,
      %get3A_189 = vector.shape_cast %get3A_188 : vector<16xi32> to vector<16xi32>
      %add3A_190 = arith.constant 96 : i32
      %add3A_191 = arith.addi %mul3A_18, %add3A_190 : i32
      %iota3A_192 = tpu.iota {dimensions = array<i32: 0>} : vector<16xi32>
      %add3A_193 = vector.broadcast %add3A_191 : i32 to vector<16xi32>
      %add3A_194 = arith.addi %add3A_193, %iota3A_192 : vector<16xi32>
      %lt3A_195 = arith.constant 600000 : i32
      %lt3A_196 = vector.broadcast %lt3A_195 : i32 to vector<16xi32>
      %lt3A_197 = arith.cmpi slt, %add3A_194, %lt3A_196 : vector<16xi32>
      %ge3A_198 = vector.broadcast %mul3A_0 : i32 to vector<16xi32>
      %ge3A_199 = arith.cmpi sge, %get3A_189, %ge3A_198 : vector<16xi32>
      %and3A_200 = arith.andi %lt3A_197, %ge3A_199 : vector<16xi1>
      %add3A_201 = arith.constant 25000 : i32
      %add3A_202 = arith.addi %mul3A_0, %add3A_201 : i32
      %lt3A_203 = vector.broadcast %add3A_202 : i32 to vector<16xi32>
      %lt3A_204 = arith.cmpi slt, %get3A_189, %lt3A_203 : vector<16xi32>
      %and3A_205 = arith.andi %and3A_200, %lt3A_204 : vector<16xi1>
      %sub3A_206 = vector.broadcast %mul3A_0 : i32 to vector<16xi32>
      %sub3A_207 = arith.subi %get3A_189, %sub3A_206 : vector<16xi32>
      %jit3A_208 = arith.constant 25000 : i32
      %broadcast_in_dim3A_209 = vector.broadcast %jit3A_208 : i32 to vector<16xi32>
      %select_n3A_210 = arith.select %and3A_205, %sub3A_207, %broadcast_in_dim3A_209 : vector<16xi1>, vector<16xi32>
      %swap3A_211 = arith.constant 96 : index
      %swap3A_212 = tpu.vector_load %arg10[%swap3A_211] {strides = array<i32>} : memref<128xi32, #tpu.memory_space<vmem>>, vector<16xi32>,
      %swap3A_213 = vector.shape_cast %swap3A_212 : vector<16xi32> to vector<16xi32>
      %swap3A_214 = vector.shape_cast %select_n3A_210 : vector<16xi32> to vector<16xi32>
      tpu.vector_store %arg10[%swap3A_211], %swap3A_214 {strides = array<i32>} : memref<128xi32, #tpu.memory_space<vmem>>, vector<16xi32>,
      %get3A_215 = arith.constant 112 : index
      %get3A_216 = tpu.vector_load %arg9[%get3A_215] {strides = array<i32>} : memref<128xi32, #tpu.memory_space<vmem>>, vector<16xi32>,
      %get3A_217 = vector.shape_cast %get3A_216 : vector<16xi32> to vector<16xi32>
      %add3A_218 = arith.constant 112 : i32
      %add3A_219 = arith.addi %mul3A_18, %add3A_218 : i32
      %iota3A_220 = tpu.iota {dimensions = array<i32: 0>} : vector<16xi32>
      %add3A_221 = vector.broadcast %add3A_219 : i32 to vector<16xi32>
      %add3A_222 = arith.addi %add3A_221, %iota3A_220 : vector<16xi32>
      %lt3A_223 = arith.constant 600000 : i32
      %lt3A_224 = vector.broadcast %lt3A_223 : i32 to vector<16xi32>
      %lt3A_225 = arith.cmpi slt, %add3A_222, %lt3A_224 : vector<16xi32>
      %ge3A_226 = vector.broadcast %mul3A_0 : i32 to vector<16xi32>
      %ge3A_227 = arith.cmpi sge, %get3A_217, %ge3A_226 : vector<16xi32>
      %and3A_228 = arith.andi %lt3A_225, %ge3A_227 : vector<16xi1>
      %add3A_229 = arith.constant 25000 : i32
      %add3A_230 = arith.addi %mul3A_0, %add3A_229 : i32
      %lt3A_231 = vector.broadcast %add3A_230 : i32 to vector<16xi32>
      %lt3A_232 = arith.cmpi slt, %get3A_217, %lt3A_231 : vector<16xi32>
      %and3A_233 = arith.andi %and3A_228, %lt3A_232 : vector<16xi1>
      %sub3A_234 = vector.broadcast %mul3A_0 : i32 to vector<16xi32>
      %sub3A_235 = arith.subi %get3A_217, %sub3A_234 : vector<16xi32>
      %jit3A_236 = arith.constant 25000 : i32
      %broadcast_in_dim3A_237 = vector.broadcast %jit3A_236 : i32 to vector<16xi32>
      %select_n3A_238 = arith.select %and3A_233, %sub3A_235, %broadcast_in_dim3A_237 : vector<16xi1>, vector<16xi32>
      %swap3A_239 = arith.constant 112 : index
      %swap3A_240 = tpu.vector_load %arg10[%swap3A_239] {strides = array<i32>} : memref<128xi32, #tpu.memory_space<vmem>>, vector<16xi32>,
      %swap3A_241 = vector.shape_cast %swap3A_240 : vector<16xi32> to vector<16xi32>
      %swap3A_242 = vector.shape_cast %select_n3A_238 : vector<16xi32> to vector<16xi32>
      tpu.vector_store %arg10[%swap3A_239], %swap3A_242 {strides = array<i32>} : memref<128xi32, #tpu.memory_space<vmem>>, vector<16xi32>,
      %dma_wait3A_243 = arith.constant 0 : i32
      %dma_wait3A_244 = tpu.memref_slice %arg3[%mul3A_18, %dma_wait3A_243] : memref<602112x64xf32, #tpu.memory_space<hbm>> -> memref<128x64xf32, #tpu.memory_space<hbm>>
      %dma_wait3A_245 = arith.constant 0 : i32
      %dma_wait3A_246 = tpu.memref_slice %arg3[%mul3A_18, %dma_wait3A_245] : memref<602112x64xf32, #tpu.memory_space<hbm>> -> memref<128x64xf32, #tpu.memory_space<hbm>>
      tpu.wait_dma2 semaphore(%arg16 : memref<!tpu.dma_semaphore, #tpu.memory_space<semaphore_mem>>) src(%dma_wait3A_246 : memref<128x64xf32, #tpu.memory_space<hbm>>) dst(%arg11 : memref<128x64xf32, #tpu.memory_space<vmem>>)
      "tpu.region"() ({
        %run_scoped3A = tpu.sem_alloc : memref<!tpu.dma_semaphore, #tpu.memory_space<semaphore_mem>>
        %dma_start3A_251 = arith.constant 0 : i32
        %dma_start3A_252 = arith.constant 0 : i32
        %dma_start3A_253 = tpu.memref_slice %arg13[%dma_start3A_251, %dma_start3A_252] : memref<25008x64xf32, #tpu.memory_space<vmem_shared>> -> memref<25008x64xf32, #tpu.memory_space<vmem_shared>>
        tpu.enqueue_indirect_dma source(%arg11 : memref<128x64xf32, #tpu.memory_space<vmem>>) target(%dma_start3A_253 : memref<25008x64xf32, #tpu.memory_space<vmem_shared>>) offsets(%arg10 : memref<128xi32, #tpu.memory_space<vmem>>) semaphore(%run_scoped3A : memref<!tpu.dma_semaphore, #tpu.memory_space<semaphore_mem>>) {add = true}
        %dma_wait3A_254 = arith.constant 0 : i32
        %dma_wait3A_255 = arith.constant 0 : i32
        %dma_wait3A_256 = tpu.memref_slice %arg13[%dma_wait3A_254, %dma_wait3A_255] : memref<25008x64xf32, #tpu.memory_space<vmem_shared>> -> memref<25008x64xf32, #tpu.memory_space<vmem_shared>>
        tpu.wait_indirect_dma semaphore(%run_scoped3A : memref<!tpu.dma_semaphore, #tpu.memory_space<semaphore_mem>>) src(%arg11 : memref<128x64xf32, #tpu.memory_space<vmem>>) dst(%dma_wait3A_256 : memref<25008x64xf32, #tpu.memory_space<vmem_shared>>)
        tpu.yield
      }) : () -> ()
      %dma_wait3A_247 = arith.constant 0 : i32
      %dma_wait3A_248 = tpu.memref_slice %arg4[%mul3A_18, %dma_wait3A_247] : memref<602112x8xf32, #tpu.memory_space<hbm>> -> memref<128x8xf32, #tpu.memory_space<hbm>>
      %dma_wait3A_249 = arith.constant 0 : i32
      %dma_wait3A_250 = tpu.memref_slice %arg4[%mul3A_18, %dma_wait3A_249] : memref<602112x8xf32, #tpu.memory_space<hbm>> -> memref<128x8xf32, #tpu.memory_space<hbm>>
      tpu.wait_dma2 semaphore(%arg17 : memref<!tpu.dma_semaphore, #tpu.memory_space<semaphore_mem>>) src(%dma_wait3A_250 : memref<128x8xf32, #tpu.memory_space<hbm>>) dst(%arg12 : memref<128x8xf32, #tpu.memory_space<vmem>>)
      "tpu.region"() ({
        %run_scoped3A = tpu.sem_alloc : memref<!tpu.dma_semaphore, #tpu.memory_space<semaphore_mem>>
        %dma_start3A_251 = arith.constant 0 : i32
        %dma_start3A_252 = arith.constant 0 : i32
        %dma_start3A_253 = tpu.memref_slice %arg14[%dma_start3A_251, %dma_start3A_252] : memref<25008x8xf32, #tpu.memory_space<vmem_shared>> -> memref<25008x8xf32, #tpu.memory_space<vmem_shared>>
        tpu.enqueue_indirect_dma source(%arg12 : memref<128x8xf32, #tpu.memory_space<vmem>>) target(%dma_start3A_253 : memref<25008x8xf32, #tpu.memory_space<vmem_shared>>) offsets(%arg10 : memref<128xi32, #tpu.memory_space<vmem>>) semaphore(%run_scoped3A : memref<!tpu.dma_semaphore, #tpu.memory_space<semaphore_mem>>) {add = true}
        %dma_wait3A_254 = arith.constant 0 : i32
        %dma_wait3A_255 = arith.constant 0 : i32
        %dma_wait3A_256 = tpu.memref_slice %arg14[%dma_wait3A_254, %dma_wait3A_255] : memref<25008x8xf32, #tpu.memory_space<vmem_shared>> -> memref<25008x8xf32, #tpu.memory_space<vmem_shared>>
        tpu.wait_indirect_dma semaphore(%run_scoped3A : memref<!tpu.dma_semaphore, #tpu.memory_space<semaphore_mem>>) src(%arg12 : memref<128x8xf32, #tpu.memory_space<vmem>>) dst(%dma_wait3A_256 : memref<25008x8xf32, #tpu.memory_space<vmem_shared>>)
        tpu.yield
      }) : () -> ()
    }
    %scan3A_7 = arith.constant 294 : i32
    %barrier3A_8 = arith.constant 0 : index
    tpu.barrier barrier_id(%barrier3A_8)
    %eq3A_9 = arith.constant 0 : i32
    %eq3A_10 = arith.cmpi eq, %arg1, %eq3A_9 : i32
    %convert_element_type3A_11 = arith.extui %eq3A_10 : i1 to i32
    %cond3A_12 = arith.constant 0 : i32
    %cond3A_13 = arith.cmpi ne, %convert_element_type3A_11, %cond3A_12 : i32
    scf.if %cond3A_13 {
      "tpu.region"() ({
        %run_scoped3A = tpu.sem_alloc : memref<!tpu.dma_semaphore, #tpu.memory_space<semaphore_mem>>
        %dma_start3A = arith.constant 0 : i32
        %dma_start3A_14 = tpu.memref_slice %arg7[%mul3A_0, %dma_start3A] : memref<50000x64xf32, #tpu.memory_space<hbm>> -> memref<25000x64xf32, #tpu.memory_space<hbm>>
        %dma_start3A_15 = arith.constant 0 : i32
        %dma_start3A_16 = arith.constant 0 : i32
        %dma_start3A_17 = tpu.memref_slice %arg13[%dma_start3A_15, %dma_start3A_16] : memref<25008x64xf32, #tpu.memory_space<vmem_shared>> -> memref<25000x64xf32, #tpu.memory_space<vmem_shared>>
        tpu.enqueue_dma source(%dma_start3A_17 : memref<25000x64xf32, #tpu.memory_space<vmem_shared>>) target(%dma_start3A_14 : memref<25000x64xf32, #tpu.memory_space<hbm>>) target_semaphore(%run_scoped3A : memref<!tpu.dma_semaphore, #tpu.memory_space<semaphore_mem>>)
        %dma_wait3A = arith.constant 0 : i32
        %dma_wait3A_18 = tpu.memref_slice %arg7[%mul3A_0, %dma_wait3A] : memref<50000x64xf32, #tpu.memory_space<hbm>> -> memref<25000x64xf32, #tpu.memory_space<hbm>>
        %dma_wait3A_19 = arith.constant 0 : i32
        %dma_wait3A_20 = arith.constant 0 : i32
        %dma_wait3A_21 = tpu.memref_slice %arg13[%dma_wait3A_19, %dma_wait3A_20] : memref<25008x64xf32, #tpu.memory_space<vmem_shared>> -> memref<25000x64xf32, #tpu.memory_space<vmem_shared>>
        tpu.wait_dma2 semaphore(%run_scoped3A : memref<!tpu.dma_semaphore, #tpu.memory_space<semaphore_mem>>) src(%dma_wait3A_21 : memref<25000x64xf32, #tpu.memory_space<vmem_shared>>) dst(%dma_wait3A_18 : memref<25000x64xf32, #tpu.memory_space<hbm>>)
        tpu.yield
      }) : () -> ()
      "tpu.region"() ({
        %run_scoped3A = tpu.sem_alloc : memref<!tpu.dma_semaphore, #tpu.memory_space<semaphore_mem>>
        %dma_start3A = arith.constant 0 : i32
        %dma_start3A_14 = tpu.memref_slice %arg8[%mul3A_0, %dma_start3A] : memref<50000x8xf32, #tpu.memory_space<hbm>> -> memref<25000x8xf32, #tpu.memory_space<hbm>>
        %dma_start3A_15 = arith.constant 0 : i32
        %dma_start3A_16 = arith.constant 0 : i32
        %dma_start3A_17 = tpu.memref_slice %arg14[%dma_start3A_15, %dma_start3A_16] : memref<25008x8xf32, #tpu.memory_space<vmem_shared>> -> memref<25000x8xf32, #tpu.memory_space<vmem_shared>>
        tpu.enqueue_dma source(%dma_start3A_17 : memref<25000x8xf32, #tpu.memory_space<vmem_shared>>) target(%dma_start3A_14 : memref<25000x8xf32, #tpu.memory_space<hbm>>) target_semaphore(%run_scoped3A : memref<!tpu.dma_semaphore, #tpu.memory_space<semaphore_mem>>)
        %dma_wait3A = arith.constant 0 : i32
        %dma_wait3A_18 = tpu.memref_slice %arg8[%mul3A_0, %dma_wait3A] : memref<50000x8xf32, #tpu.memory_space<hbm>> -> memref<25000x8xf32, #tpu.memory_space<hbm>>
        %dma_wait3A_19 = arith.constant 0 : i32
        %dma_wait3A_20 = arith.constant 0 : i32
        %dma_wait3A_21 = tpu.memref_slice %arg14[%dma_wait3A_19, %dma_wait3A_20] : memref<25008x8xf32, #tpu.memory_space<vmem_shared>> -> memref<25000x8xf32, #tpu.memory_space<vmem_shared>>
        tpu.wait_dma2 semaphore(%run_scoped3A : memref<!tpu.dma_semaphore, #tpu.memory_space<semaphore_mem>>) src(%dma_wait3A_21 : memref<25000x8xf32, #tpu.memory_space<vmem_shared>>) dst(%dma_wait3A_18 : memref<25000x8xf32, #tpu.memory_space<hbm>>)
        tpu.yield
      }) : () -> ()
    } else {
    }
    return
  }
}

#map = affine_map<(d0, d1) -> (0)>
#map1 = affine_map<(d0, d1) -> (0, 0)>
module attributes {stable_mosaic.version = 14 : i64} {
  func.func @_sc_nodegather(%arg0: i32, %arg1: i32, %arg2: memref<53248xi32, #tpu.memory_space<hbm>>, %arg3: memref<100000x64xf32, #tpu.memory_space<hbm>>, %arg4: memref<100000x64xf32, #tpu.memory_space<hbm>>, %arg5: memref<100000xf32, #tpu.memory_space<hbm>>, %arg6: memref<53248x128xf32, #tpu.memory_space<hbm>>, %arg7: memref<53248xf32, #tpu.memory_space<hbm>>, %arg8: memref<128xi32, #tpu.memory_space<vmem>>, %arg9: memref<128x64xf32, #tpu.memory_space<vmem>>, %arg10: memref<128x64xf32, #tpu.memory_space<vmem>>, %arg11: memref<128xf32, #tpu.memory_space<vmem>>, %arg12: memref<!tpu.dma_semaphore, #tpu.memory_space<semaphore_mem>>, %arg13: memref<!tpu.dma_semaphore, #tpu.memory_space<semaphore_mem>>, %arg14: memref<!tpu.dma_semaphore, #tpu.memory_space<semaphore_mem>>) attributes {dimension_semantics = [#tpu.dimension_semantics<core_parallel>, #tpu.dimension_semantics<subcore_parallel>], iteration_bounds = array<i64: 2, 16>, scalar_prefetch = 0 : i64, scratch_operands = 7 : i64, tpu.core_type = #tpu.core_type<sc_vector_subcore>, window_params = [{transform_indices = #map}, {transform_indices = #map1}, {transform_indices = #map1}, {transform_indices = #map}, {transform_indices = #map1}, {transform_indices = #map}]} {
    %mul3A = arith.constant 2 : i32
    %mul3A_0 = arith.muli %arg1, %mul3A : i32
    %add3A = arith.addi %mul3A_0, %arg0 : i32
    %scan3A = arith.constant 0 : i32
    %scan3A_1 = arith.constant 0 : i32
    %scan3A_2 = arith.constant 13 : i32
    %scan3A_3 = arith.addi %scan3A_1, %scan3A_2 : i32
    %scan3A_4 = arith.constant 1 : i32
    scf.for %scan3A_6 = %scan3A_1 to %scan3A_3 step %scan3A_4  : i32 {
      %mul3A_7 = arith.constant 13 : i32
      %mul3A_8 = arith.muli %add3A, %mul3A_7 : i32
      %add3A_9 = arith.addi %mul3A_8, %scan3A_6 : i32
      %mul3A_10 = arith.constant 128 : i32
      %mul3A_11 = arith.muli %add3A_9, %mul3A_10 : i32
      "tpu.region"() ({
        %run_scoped3A = tpu.sem_alloc : memref<!tpu.dma_semaphore, #tpu.memory_space<semaphore_mem>>
        %dma_start3A_26 = tpu.memref_slice %arg2[%mul3A_11] : memref<53248xi32, #tpu.memory_space<hbm>> -> memref<128xi32, #tpu.memory_space<hbm>>
        %dma_start3A_27 = tpu.memref_slice %arg2[%mul3A_11] : memref<53248xi32, #tpu.memory_space<hbm>> -> memref<128xi32, #tpu.memory_space<hbm>>
        tpu.enqueue_dma source(%dma_start3A_27 : memref<128xi32, #tpu.memory_space<hbm>>) target(%arg8 : memref<128xi32, #tpu.memory_space<vmem>>) target_semaphore(%run_scoped3A : memref<!tpu.dma_semaphore, #tpu.memory_space<semaphore_mem>>)
        %dma_wait3A_28 = tpu.memref_slice %arg2[%mul3A_11] : memref<53248xi32, #tpu.memory_space<hbm>> -> memref<128xi32, #tpu.memory_space<hbm>>
        %dma_wait3A_29 = tpu.memref_slice %arg2[%mul3A_11] : memref<53248xi32, #tpu.memory_space<hbm>> -> memref<128xi32, #tpu.memory_space<hbm>>
        tpu.wait_dma2 semaphore(%run_scoped3A : memref<!tpu.dma_semaphore, #tpu.memory_space<semaphore_mem>>) src(%dma_wait3A_29 : memref<128xi32, #tpu.memory_space<hbm>>) dst(%arg8 : memref<128xi32, #tpu.memory_space<vmem>>)
        tpu.yield
      }) : () -> ()
      %dma_start3A = arith.constant 0 : i32
      %dma_start3A_12 = arith.constant 0 : i32
      %dma_start3A_13 = tpu.memref_slice %arg3[%dma_start3A, %dma_start3A_12] : memref<100000x64xf32, #tpu.memory_space<hbm>> -> memref<100000x64xf32, #tpu.memory_space<hbm>>
      tpu.enqueue_indirect_dma source(%dma_start3A_13 : memref<100000x64xf32, #tpu.memory_space<hbm>>) target(%arg9 : memref<128x64xf32, #tpu.memory_space<vmem>>) offsets(%arg8 : memref<128xi32, #tpu.memory_space<vmem>>) semaphore(%arg12 : memref<!tpu.dma_semaphore, #tpu.memory_space<semaphore_mem>>)
      %dma_start3A_14 = arith.constant 0 : i32
      %dma_start3A_15 = arith.constant 0 : i32
      %dma_start3A_16 = tpu.memref_slice %arg4[%dma_start3A_14, %dma_start3A_15] : memref<100000x64xf32, #tpu.memory_space<hbm>> -> memref<100000x64xf32, #tpu.memory_space<hbm>>
      tpu.enqueue_indirect_dma source(%dma_start3A_16 : memref<100000x64xf32, #tpu.memory_space<hbm>>) target(%arg10 : memref<128x64xf32, #tpu.memory_space<vmem>>) offsets(%arg8 : memref<128xi32, #tpu.memory_space<vmem>>) semaphore(%arg13 : memref<!tpu.dma_semaphore, #tpu.memory_space<semaphore_mem>>)
      %dma_start3A_17 = arith.constant 0 : i32
      %dma_start3A_18 = tpu.memref_slice %arg5[%dma_start3A_17] : memref<100000xf32, #tpu.memory_space<hbm>> -> memref<100000xf32, #tpu.memory_space<hbm>>
      tpu.enqueue_indirect_dma source(%dma_start3A_18 : memref<100000xf32, #tpu.memory_space<hbm>>) target(%arg11 : memref<128xf32, #tpu.memory_space<vmem>>) offsets(%arg8 : memref<128xi32, #tpu.memory_space<vmem>>) semaphore(%arg14 : memref<!tpu.dma_semaphore, #tpu.memory_space<semaphore_mem>>)
      %dma_wait3A = arith.constant 0 : i32
      %dma_wait3A_19 = arith.constant 0 : i32
      %dma_wait3A_20 = tpu.memref_slice %arg3[%dma_wait3A, %dma_wait3A_19] : memref<100000x64xf32, #tpu.memory_space<hbm>> -> memref<100000x64xf32, #tpu.memory_space<hbm>>
      tpu.wait_indirect_dma semaphore(%arg12 : memref<!tpu.dma_semaphore, #tpu.memory_space<semaphore_mem>>) src(%dma_wait3A_20 : memref<100000x64xf32, #tpu.memory_space<hbm>>) dst(%arg9 : memref<128x64xf32, #tpu.memory_space<vmem>>)
      %dma_wait3A_21 = arith.constant 0 : i32
      %dma_wait3A_22 = arith.constant 0 : i32
      %dma_wait3A_23 = tpu.memref_slice %arg4[%dma_wait3A_21, %dma_wait3A_22] : memref<100000x64xf32, #tpu.memory_space<hbm>> -> memref<100000x64xf32, #tpu.memory_space<hbm>>
      tpu.wait_indirect_dma semaphore(%arg13 : memref<!tpu.dma_semaphore, #tpu.memory_space<semaphore_mem>>) src(%dma_wait3A_23 : memref<100000x64xf32, #tpu.memory_space<hbm>>) dst(%arg10 : memref<128x64xf32, #tpu.memory_space<vmem>>)
      %dma_wait3A_24 = arith.constant 0 : i32
      %dma_wait3A_25 = tpu.memref_slice %arg5[%dma_wait3A_24] : memref<100000xf32, #tpu.memory_space<hbm>> -> memref<100000xf32, #tpu.memory_space<hbm>>
      tpu.wait_indirect_dma semaphore(%arg14 : memref<!tpu.dma_semaphore, #tpu.memory_space<semaphore_mem>>) src(%dma_wait3A_25 : memref<100000xf32, #tpu.memory_space<hbm>>) dst(%arg11 : memref<128xf32, #tpu.memory_space<vmem>>)
      "tpu.region"() ({
        %run_scoped3A = tpu.sem_alloc : memref<!tpu.dma_semaphore, #tpu.memory_space<semaphore_mem>>
        %dma_start3A_26 = arith.constant 0 : i32
        %dma_start3A_27 = tpu.memref_slice %arg6[%mul3A_11, %dma_start3A_26] : memref<53248x128xf32, #tpu.memory_space<hbm>> -> memref<128x64xf32, #tpu.memory_space<hbm>>
        %dma_start3A_28 = arith.constant 0 : i32
        %dma_start3A_29 = tpu.memref_slice %arg6[%mul3A_11, %dma_start3A_28] : memref<53248x128xf32, #tpu.memory_space<hbm>> -> memref<128x64xf32, #tpu.memory_space<hbm>>
        tpu.enqueue_dma source(%arg9 : memref<128x64xf32, #tpu.memory_space<vmem>>) target(%dma_start3A_29 : memref<128x64xf32, #tpu.memory_space<hbm>>) target_semaphore(%run_scoped3A : memref<!tpu.dma_semaphore, #tpu.memory_space<semaphore_mem>>)
        %dma_wait3A_30 = arith.constant 0 : i32
        %dma_wait3A_31 = tpu.memref_slice %arg6[%mul3A_11, %dma_wait3A_30] : memref<53248x128xf32, #tpu.memory_space<hbm>> -> memref<128x64xf32, #tpu.memory_space<hbm>>
        %dma_wait3A_32 = arith.constant 0 : i32
        %dma_wait3A_33 = tpu.memref_slice %arg6[%mul3A_11, %dma_wait3A_32] : memref<53248x128xf32, #tpu.memory_space<hbm>> -> memref<128x64xf32, #tpu.memory_space<hbm>>
        tpu.wait_dma2 semaphore(%run_scoped3A : memref<!tpu.dma_semaphore, #tpu.memory_space<semaphore_mem>>) src(%arg9 : memref<128x64xf32, #tpu.memory_space<vmem>>) dst(%dma_wait3A_33 : memref<128x64xf32, #tpu.memory_space<hbm>>)
        tpu.yield
      }) : () -> ()
      "tpu.region"() ({
        %run_scoped3A = tpu.sem_alloc : memref<!tpu.dma_semaphore, #tpu.memory_space<semaphore_mem>>
        %dma_start3A_26 = arith.constant 64 : i32
        %dma_start3A_27 = tpu.memref_slice %arg6[%mul3A_11, %dma_start3A_26] : memref<53248x128xf32, #tpu.memory_space<hbm>> -> memref<128x64xf32, #tpu.memory_space<hbm>>
        %dma_start3A_28 = arith.constant 64 : i32
        %dma_start3A_29 = tpu.memref_slice %arg6[%mul3A_11, %dma_start3A_28] : memref<53248x128xf32, #tpu.memory_space<hbm>> -> memref<128x64xf32, #tpu.memory_space<hbm>>
        tpu.enqueue_dma source(%arg10 : memref<128x64xf32, #tpu.memory_space<vmem>>) target(%dma_start3A_29 : memref<128x64xf32, #tpu.memory_space<hbm>>) target_semaphore(%run_scoped3A : memref<!tpu.dma_semaphore, #tpu.memory_space<semaphore_mem>>)
        %dma_wait3A_30 = arith.constant 64 : i32
        %dma_wait3A_31 = tpu.memref_slice %arg6[%mul3A_11, %dma_wait3A_30] : memref<53248x128xf32, #tpu.memory_space<hbm>> -> memref<128x64xf32, #tpu.memory_space<hbm>>
        %dma_wait3A_32 = arith.constant 64 : i32
        %dma_wait3A_33 = tpu.memref_slice %arg6[%mul3A_11, %dma_wait3A_32] : memref<53248x128xf32, #tpu.memory_space<hbm>> -> memref<128x64xf32, #tpu.memory_space<hbm>>
        tpu.wait_dma2 semaphore(%run_scoped3A : memref<!tpu.dma_semaphore, #tpu.memory_space<semaphore_mem>>) src(%arg10 : memref<128x64xf32, #tpu.memory_space<vmem>>) dst(%dma_wait3A_33 : memref<128x64xf32, #tpu.memory_space<hbm>>)
        tpu.yield
      }) : () -> ()
      "tpu.region"() ({
        %run_scoped3A = tpu.sem_alloc : memref<!tpu.dma_semaphore, #tpu.memory_space<semaphore_mem>>
        %dma_start3A_26 = tpu.memref_slice %arg7[%mul3A_11] : memref<53248xf32, #tpu.memory_space<hbm>> -> memref<128xf32, #tpu.memory_space<hbm>>
        %dma_start3A_27 = tpu.memref_slice %arg7[%mul3A_11] : memref<53248xf32, #tpu.memory_space<hbm>> -> memref<128xf32, #tpu.memory_space<hbm>>
        tpu.enqueue_dma source(%arg11 : memref<128xf32, #tpu.memory_space<vmem>>) target(%dma_start3A_27 : memref<128xf32, #tpu.memory_space<hbm>>) target_semaphore(%run_scoped3A : memref<!tpu.dma_semaphore, #tpu.memory_space<semaphore_mem>>)
        %dma_wait3A_28 = tpu.memref_slice %arg7[%mul3A_11] : memref<53248xf32, #tpu.memory_space<hbm>> -> memref<128xf32, #tpu.memory_space<hbm>>
        %dma_wait3A_29 = tpu.memref_slice %arg7[%mul3A_11] : memref<53248xf32, #tpu.memory_space<hbm>> -> memref<128xf32, #tpu.memory_space<hbm>>
        tpu.wait_dma2 semaphore(%run_scoped3A : memref<!tpu.dma_semaphore, #tpu.memory_space<semaphore_mem>>) src(%arg11 : memref<128xf32, #tpu.memory_space<vmem>>) dst(%dma_wait3A_29 : memref<128xf32, #tpu.memory_space<hbm>>)
        tpu.yield
      }) : () -> ()
    }
    %scan3A_5 = arith.constant 13 : i32
    return
  }
}

#map = affine_map<(d0, d1) -> (0)>
#map1 = affine_map<(d0, d1) -> (0, 0)>
module attributes {stable_mosaic.version = 14 : i64} {
  func.func @_sc_edgegather(%arg0: i32, %arg1: i32, %arg2: memref<602112xi32, #tpu.memory_space<hbm>>, %arg3: memref<602112xi32, #tpu.memory_space<hbm>>, %arg4: memref<602112xi32, #tpu.memory_space<hbm>>, %arg5: memref<50000x144xf32, #tpu.memory_space<hbm>>, %arg6: memref<50000x64xf32, #tpu.memory_space<hbm>>, %arg7: memref<2000000x16xf32, #tpu.memory_space<hbm>>, %arg8: memref<2000000xf32, #tpu.memory_space<hbm>>, %arg9: memref<602112x144xf32, #tpu.memory_space<hbm>>, %arg10: memref<602112x64xf32, #tpu.memory_space<hbm>>, %arg11: memref<602112x16xf32, #tpu.memory_space<hbm>>, %arg12: memref<602112xf32, #tpu.memory_space<hbm>>, %arg13: memref<128xi32, #tpu.memory_space<vmem>>, %arg14: memref<128xi32, #tpu.memory_space<vmem>>, %arg15: memref<128xi32, #tpu.memory_space<vmem>>, %arg16: memref<128x144xf32, #tpu.memory_space<vmem>>, %arg17: memref<128x64xf32, #tpu.memory_space<vmem>>, %arg18: memref<128x16xf32, #tpu.memory_space<vmem>>, %arg19: memref<128xf32, #tpu.memory_space<vmem>>, %arg20: memref<!tpu.dma_semaphore, #tpu.memory_space<semaphore_mem>>, %arg21: memref<!tpu.dma_semaphore, #tpu.memory_space<semaphore_mem>>, %arg22: memref<!tpu.dma_semaphore, #tpu.memory_space<semaphore_mem>>, %arg23: memref<!tpu.dma_semaphore, #tpu.memory_space<semaphore_mem>>) attributes {dimension_semantics = [#tpu.dimension_semantics<core_parallel>, #tpu.dimension_semantics<subcore_parallel>], iteration_bounds = array<i64: 2, 16>, scalar_prefetch = 0 : i64, scratch_operands = 11 : i64, tpu.core_type = #tpu.core_type<sc_vector_subcore>, window_params = [{transform_indices = #map}, {transform_indices = #map}, {transform_indices = #map}, {transform_indices = #map1}, {transform_indices = #map1}, {transform_indices = #map1}, {transform_indices = #map}, {transform_indices = #map1}, {transform_indices = #map1}, {transform_indices = #map1}, {transform_indices = #map}]} {
    %mul3A = arith.constant 2 : i32
    %mul3A_0 = arith.muli %arg1, %mul3A : i32
    %add3A = arith.addi %mul3A_0, %arg0 : i32
    %scan3A = arith.constant 0 : i32
    %scan3A_1 = arith.constant 0 : i32
    %scan3A_2 = arith.constant 147 : i32
    %scan3A_3 = arith.addi %scan3A_1, %scan3A_2 : i32
    %scan3A_4 = arith.constant 1 : i32
    scf.for %scan3A_6 = %scan3A_1 to %scan3A_3 step %scan3A_4  : i32 {
      %mul3A_7 = arith.constant 147 : i32
      %mul3A_8 = arith.muli %add3A, %mul3A_7 : i32
      %add3A_9 = arith.addi %mul3A_8, %scan3A_6 : i32
      %mul3A_10 = arith.constant 128 : i32
      %mul3A_11 = arith.muli %add3A_9, %mul3A_10 : i32
      %dma_start3A = tpu.memref_slice %arg2[%mul3A_11] : memref<602112xi32, #tpu.memory_space<hbm>> -> memref<128xi32, #tpu.memory_space<hbm>>
      %dma_start3A_12 = tpu.memref_slice %arg2[%mul3A_11] : memref<602112xi32, #tpu.memory_space<hbm>> -> memref<128xi32, #tpu.memory_space<hbm>>
      tpu.enqueue_dma source(%dma_start3A_12 : memref<128xi32, #tpu.memory_space<hbm>>) target(%arg13 : memref<128xi32, #tpu.memory_space<vmem>>) target_semaphore(%arg20 : memref<!tpu.dma_semaphore, #tpu.memory_space<semaphore_mem>>)
      %dma_start3A_13 = tpu.memref_slice %arg3[%mul3A_11] : memref<602112xi32, #tpu.memory_space<hbm>> -> memref<128xi32, #tpu.memory_space<hbm>>
      %dma_start3A_14 = tpu.memref_slice %arg3[%mul3A_11] : memref<602112xi32, #tpu.memory_space<hbm>> -> memref<128xi32, #tpu.memory_space<hbm>>
      tpu.enqueue_dma source(%dma_start3A_14 : memref<128xi32, #tpu.memory_space<hbm>>) target(%arg14 : memref<128xi32, #tpu.memory_space<vmem>>) target_semaphore(%arg21 : memref<!tpu.dma_semaphore, #tpu.memory_space<semaphore_mem>>)
      %dma_start3A_15 = tpu.memref_slice %arg4[%mul3A_11] : memref<602112xi32, #tpu.memory_space<hbm>> -> memref<128xi32, #tpu.memory_space<hbm>>
      %dma_start3A_16 = tpu.memref_slice %arg4[%mul3A_11] : memref<602112xi32, #tpu.memory_space<hbm>> -> memref<128xi32, #tpu.memory_space<hbm>>
      tpu.enqueue_dma source(%dma_start3A_16 : memref<128xi32, #tpu.memory_space<hbm>>) target(%arg15 : memref<128xi32, #tpu.memory_space<vmem>>) target_semaphore(%arg22 : memref<!tpu.dma_semaphore, #tpu.memory_space<semaphore_mem>>)
      %dma_wait3A = tpu.memref_slice %arg2[%mul3A_11] : memref<602112xi32, #tpu.memory_space<hbm>> -> memref<128xi32, #tpu.memory_space<hbm>>
      %dma_wait3A_17 = tpu.memref_slice %arg2[%mul3A_11] : memref<602112xi32, #tpu.memory_space<hbm>> -> memref<128xi32, #tpu.memory_space<hbm>>
      tpu.wait_dma2 semaphore(%arg20 : memref<!tpu.dma_semaphore, #tpu.memory_space<semaphore_mem>>) src(%dma_wait3A_17 : memref<128xi32, #tpu.memory_space<hbm>>) dst(%arg13 : memref<128xi32, #tpu.memory_space<vmem>>)
      %dma_wait3A_18 = tpu.memref_slice %arg3[%mul3A_11] : memref<602112xi32, #tpu.memory_space<hbm>> -> memref<128xi32, #tpu.memory_space<hbm>>
      %dma_wait3A_19 = tpu.memref_slice %arg3[%mul3A_11] : memref<602112xi32, #tpu.memory_space<hbm>> -> memref<128xi32, #tpu.memory_space<hbm>>
      tpu.wait_dma2 semaphore(%arg21 : memref<!tpu.dma_semaphore, #tpu.memory_space<semaphore_mem>>) src(%dma_wait3A_19 : memref<128xi32, #tpu.memory_space<hbm>>) dst(%arg14 : memref<128xi32, #tpu.memory_space<vmem>>)
      %dma_wait3A_20 = tpu.memref_slice %arg4[%mul3A_11] : memref<602112xi32, #tpu.memory_space<hbm>> -> memref<128xi32, #tpu.memory_space<hbm>>
      %dma_wait3A_21 = tpu.memref_slice %arg4[%mul3A_11] : memref<602112xi32, #tpu.memory_space<hbm>> -> memref<128xi32, #tpu.memory_space<hbm>>
      tpu.wait_dma2 semaphore(%arg22 : memref<!tpu.dma_semaphore, #tpu.memory_space<semaphore_mem>>) src(%dma_wait3A_21 : memref<128xi32, #tpu.memory_space<hbm>>) dst(%arg15 : memref<128xi32, #tpu.memory_space<vmem>>)
      %dma_start3A_22 = arith.constant 0 : i32
      %dma_start3A_23 = arith.constant 0 : i32
      %dma_start3A_24 = tpu.memref_slice %arg5[%dma_start3A_22, %dma_start3A_23] : memref<50000x144xf32, #tpu.memory_space<hbm>> -> memref<50000x144xf32, #tpu.memory_space<hbm>>
      tpu.enqueue_indirect_dma source(%dma_start3A_24 : memref<50000x144xf32, #tpu.memory_space<hbm>>) target(%arg16 : memref<128x144xf32, #tpu.memory_space<vmem>>) offsets(%arg13 : memref<128xi32, #tpu.memory_space<vmem>>) semaphore(%arg20 : memref<!tpu.dma_semaphore, #tpu.memory_space<semaphore_mem>>)
      %dma_start3A_25 = arith.constant 0 : i32
      %dma_start3A_26 = arith.constant 0 : i32
      %dma_start3A_27 = tpu.memref_slice %arg6[%dma_start3A_25, %dma_start3A_26] : memref<50000x64xf32, #tpu.memory_space<hbm>> -> memref<50000x64xf32, #tpu.memory_space<hbm>>
      tpu.enqueue_indirect_dma source(%dma_start3A_27 : memref<50000x64xf32, #tpu.memory_space<hbm>>) target(%arg17 : memref<128x64xf32, #tpu.memory_space<vmem>>) offsets(%arg14 : memref<128xi32, #tpu.memory_space<vmem>>) semaphore(%arg21 : memref<!tpu.dma_semaphore, #tpu.memory_space<semaphore_mem>>)
      %dma_start3A_28 = arith.constant 0 : i32
      %dma_start3A_29 = arith.constant 0 : i32
      %dma_start3A_30 = tpu.memref_slice %arg7[%dma_start3A_28, %dma_start3A_29] : memref<2000000x16xf32, #tpu.memory_space<hbm>> -> memref<2000000x16xf32, #tpu.memory_space<hbm>>
      tpu.enqueue_indirect_dma source(%dma_start3A_30 : memref<2000000x16xf32, #tpu.memory_space<hbm>>) target(%arg18 : memref<128x16xf32, #tpu.memory_space<vmem>>) offsets(%arg15 : memref<128xi32, #tpu.memory_space<vmem>>) semaphore(%arg22 : memref<!tpu.dma_semaphore, #tpu.memory_space<semaphore_mem>>)
      %dma_start3A_31 = arith.constant 0 : i32
      %dma_start3A_32 = tpu.memref_slice %arg8[%dma_start3A_31] : memref<2000000xf32, #tpu.memory_space<hbm>> -> memref<2000000xf32, #tpu.memory_space<hbm>>
      tpu.enqueue_indirect_dma source(%dma_start3A_32 : memref<2000000xf32, #tpu.memory_space<hbm>>) target(%arg19 : memref<128xf32, #tpu.memory_space<vmem>>) offsets(%arg15 : memref<128xi32, #tpu.memory_space<vmem>>) semaphore(%arg23 : memref<!tpu.dma_semaphore, #tpu.memory_space<semaphore_mem>>)
      %dma_wait3A_33 = arith.constant 0 : i32
      %dma_wait3A_34 = arith.constant 0 : i32
      %dma_wait3A_35 = tpu.memref_slice %arg5[%dma_wait3A_33, %dma_wait3A_34] : memref<50000x144xf32, #tpu.memory_space<hbm>> -> memref<50000x144xf32, #tpu.memory_space<hbm>>
      tpu.wait_indirect_dma semaphore(%arg20 : memref<!tpu.dma_semaphore, #tpu.memory_space<semaphore_mem>>) src(%dma_wait3A_35 : memref<50000x144xf32, #tpu.memory_space<hbm>>) dst(%arg16 : memref<128x144xf32, #tpu.memory_space<vmem>>)
      %dma_wait3A_36 = arith.constant 0 : i32
      %dma_wait3A_37 = arith.constant 0 : i32
      %dma_wait3A_38 = tpu.memref_slice %arg6[%dma_wait3A_36, %dma_wait3A_37] : memref<50000x64xf32, #tpu.memory_space<hbm>> -> memref<50000x64xf32, #tpu.memory_space<hbm>>
      tpu.wait_indirect_dma semaphore(%arg21 : memref<!tpu.dma_semaphore, #tpu.memory_space<semaphore_mem>>) src(%dma_wait3A_38 : memref<50000x64xf32, #tpu.memory_space<hbm>>) dst(%arg17 : memref<128x64xf32, #tpu.memory_space<vmem>>)
      %dma_wait3A_39 = arith.constant 0 : i32
      %dma_wait3A_40 = arith.constant 0 : i32
      %dma_wait3A_41 = tpu.memref_slice %arg7[%dma_wait3A_39, %dma_wait3A_40] : memref<2000000x16xf32, #tpu.memory_space<hbm>> -> memref<2000000x16xf32, #tpu.memory_space<hbm>>
      tpu.wait_indirect_dma semaphore(%arg22 : memref<!tpu.dma_semaphore, #tpu.memory_space<semaphore_mem>>) src(%dma_wait3A_41 : memref<2000000x16xf32, #tpu.memory_space<hbm>>) dst(%arg18 : memref<128x16xf32, #tpu.memory_space<vmem>>)
      %dma_wait3A_42 = arith.constant 0 : i32
      %dma_wait3A_43 = tpu.memref_slice %arg8[%dma_wait3A_42] : memref<2000000xf32, #tpu.memory_space<hbm>> -> memref<2000000xf32, #tpu.memory_space<hbm>>
      tpu.wait_indirect_dma semaphore(%arg23 : memref<!tpu.dma_semaphore, #tpu.memory_space<semaphore_mem>>) src(%dma_wait3A_43 : memref<2000000xf32, #tpu.memory_space<hbm>>) dst(%arg19 : memref<128xf32, #tpu.memory_space<vmem>>)
      %dma_start3A_44 = arith.constant 0 : i32
      %dma_start3A_45 = tpu.memref_slice %arg9[%mul3A_11, %dma_start3A_44] : memref<602112x144xf32, #tpu.memory_space<hbm>> -> memref<128x144xf32, #tpu.memory_space<hbm>>
      %dma_start3A_46 = arith.constant 0 : i32
      %dma_start3A_47 = tpu.memref_slice %arg9[%mul3A_11, %dma_start3A_46] : memref<602112x144xf32, #tpu.memory_space<hbm>> -> memref<128x144xf32, #tpu.memory_space<hbm>>
      tpu.enqueue_dma source(%arg16 : memref<128x144xf32, #tpu.memory_space<vmem>>) target(%dma_start3A_47 : memref<128x144xf32, #tpu.memory_space<hbm>>) target_semaphore(%arg20 : memref<!tpu.dma_semaphore, #tpu.memory_space<semaphore_mem>>)
      %dma_start3A_48 = arith.constant 0 : i32
      %dma_start3A_49 = tpu.memref_slice %arg10[%mul3A_11, %dma_start3A_48] : memref<602112x64xf32, #tpu.memory_space<hbm>> -> memref<128x64xf32, #tpu.memory_space<hbm>>
      %dma_start3A_50 = arith.constant 0 : i32
      %dma_start3A_51 = tpu.memref_slice %arg10[%mul3A_11, %dma_start3A_50] : memref<602112x64xf32, #tpu.memory_space<hbm>> -> memref<128x64xf32, #tpu.memory_space<hbm>>
      tpu.enqueue_dma source(%arg17 : memref<128x64xf32, #tpu.memory_space<vmem>>) target(%dma_start3A_51 : memref<128x64xf32, #tpu.memory_space<hbm>>) target_semaphore(%arg21 : memref<!tpu.dma_semaphore, #tpu.memory_space<semaphore_mem>>)
      %dma_start3A_52 = arith.constant 0 : i32
      %dma_start3A_53 = tpu.memref_slice %arg11[%mul3A_11, %dma_start3A_52] : memref<602112x16xf32, #tpu.memory_space<hbm>> -> memref<128x16xf32, #tpu.memory_space<hbm>>
      %dma_start3A_54 = arith.constant 0 : i32
      %dma_start3A_55 = tpu.memref_slice %arg11[%mul3A_11, %dma_start3A_54] : memref<602112x16xf32, #tpu.memory_space<hbm>> -> memref<128x16xf32, #tpu.memory_space<hbm>>
      tpu.enqueue_dma source(%arg18 : memref<128x16xf32, #tpu.memory_space<vmem>>) target(%dma_start3A_55 : memref<128x16xf32, #tpu.memory_space<hbm>>) target_semaphore(%arg22 : memref<!tpu.dma_semaphore, #tpu.memory_space<semaphore_mem>>)
      %dma_start3A_56 = tpu.memref_slice %arg12[%mul3A_11] : memref<602112xf32, #tpu.memory_space<hbm>> -> memref<128xf32, #tpu.memory_space<hbm>>
      %dma_start3A_57 = tpu.memref_slice %arg12[%mul3A_11] : memref<602112xf32, #tpu.memory_space<hbm>> -> memref<128xf32, #tpu.memory_space<hbm>>
      tpu.enqueue_dma source(%arg19 : memref<128xf32, #tpu.memory_space<vmem>>) target(%dma_start3A_57 : memref<128xf32, #tpu.memory_space<hbm>>) target_semaphore(%arg23 : memref<!tpu.dma_semaphore, #tpu.memory_space<semaphore_mem>>)
      %dma_wait3A_58 = arith.constant 0 : i32
      %dma_wait3A_59 = tpu.memref_slice %arg9[%mul3A_11, %dma_wait3A_58] : memref<602112x144xf32, #tpu.memory_space<hbm>> -> memref<128x144xf32, #tpu.memory_space<hbm>>
      %dma_wait3A_60 = arith.constant 0 : i32
      %dma_wait3A_61 = tpu.memref_slice %arg9[%mul3A_11, %dma_wait3A_60] : memref<602112x144xf32, #tpu.memory_space<hbm>> -> memref<128x144xf32, #tpu.memory_space<hbm>>
      tpu.wait_dma2 semaphore(%arg20 : memref<!tpu.dma_semaphore, #tpu.memory_space<semaphore_mem>>) src(%arg16 : memref<128x144xf32, #tpu.memory_space<vmem>>) dst(%dma_wait3A_61 : memref<128x144xf32, #tpu.memory_space<hbm>>)
      %dma_wait3A_62 = arith.constant 0 : i32
      %dma_wait3A_63 = tpu.memref_slice %arg10[%mul3A_11, %dma_wait3A_62] : memref<602112x64xf32, #tpu.memory_space<hbm>> -> memref<128x64xf32, #tpu.memory_space<hbm>>
      %dma_wait3A_64 = arith.constant 0 : i32
      %dma_wait3A_65 = tpu.memref_slice %arg10[%mul3A_11, %dma_wait3A_64] : memref<602112x64xf32, #tpu.memory_space<hbm>> -> memref<128x64xf32, #tpu.memory_space<hbm>>
      tpu.wait_dma2 semaphore(%arg21 : memref<!tpu.dma_semaphore, #tpu.memory_space<semaphore_mem>>) src(%arg17 : memref<128x64xf32, #tpu.memory_space<vmem>>) dst(%dma_wait3A_65 : memref<128x64xf32, #tpu.memory_space<hbm>>)
      %dma_wait3A_66 = arith.constant 0 : i32
      %dma_wait3A_67 = tpu.memref_slice %arg11[%mul3A_11, %dma_wait3A_66] : memref<602112x16xf32, #tpu.memory_space<hbm>> -> memref<128x16xf32, #tpu.memory_space<hbm>>
      %dma_wait3A_68 = arith.constant 0 : i32
      %dma_wait3A_69 = tpu.memref_slice %arg11[%mul3A_11, %dma_wait3A_68] : memref<602112x16xf32, #tpu.memory_space<hbm>> -> memref<128x16xf32, #tpu.memory_space<hbm>>
      tpu.wait_dma2 semaphore(%arg22 : memref<!tpu.dma_semaphore, #tpu.memory_space<semaphore_mem>>) src(%arg18 : memref<128x16xf32, #tpu.memory_space<vmem>>) dst(%dma_wait3A_69 : memref<128x16xf32, #tpu.memory_space<hbm>>)
      %dma_wait3A_70 = tpu.memref_slice %arg12[%mul3A_11] : memref<602112xf32, #tpu.memory_space<hbm>> -> memref<128xf32, #tpu.memory_space<hbm>>
      %dma_wait3A_71 = tpu.memref_slice %arg12[%mul3A_11] : memref<602112xf32, #tpu.memory_space<hbm>> -> memref<128xf32, #tpu.memory_space<hbm>>
      tpu.wait_dma2 semaphore(%arg23 : memref<!tpu.dma_semaphore, #tpu.memory_space<semaphore_mem>>) src(%arg19 : memref<128xf32, #tpu.memory_space<vmem>>) dst(%dma_wait3A_71 : memref<128xf32, #tpu.memory_space<hbm>>)
    }
    %scan3A_5 = arith.constant 147 : i32
    return
  }
}

module attributes {stable_mosaic.version = 14 : i64} {
  func.func @_proj_body(%arg0: i32, %arg1: memref<1000x128xf32, #tpu.memory_space<vmem>>, %arg2: memref<1000x1xf32, #tpu.memory_space<vmem>>, %arg3: memref<64x128xf32, #tpu.memory_space<vmem>>, %arg4: memref<64xf32, #tpu.memory_space<vmem>>, %arg5: memref<64x128xf32, #tpu.memory_space<vmem>>, %arg6: memref<64xf32, #tpu.memory_space<vmem>>, %arg7: memref<64x128xf32, #tpu.memory_space<vmem>>, %arg8: memref<64xf32, #tpu.memory_space<vmem>>, %arg9: memref<64x128xf32, #tpu.memory_space<vmem>>, %arg10: memref<64xf32, #tpu.memory_space<vmem>>, %arg11: memref<1000x64xf32, #tpu.memory_space<vmem>>, %arg12: memref<1000x144xf32, #tpu.memory_space<vmem>>, %arg13: memref<1000x64xf32, #tpu.memory_space<vmem>>) attributes {dimension_semantics = [#tpu.dimension_semantics<arbitrary>], iteration_bounds = array<i64: 50>, scalar_prefetch = 0 : i64, scratch_operands = 0 : i64, tpu.core_type = #tpu.core_type<tc>, window_params = [{transform_indices = @transform_0, window_bounds = array<i64: 1000, 128>}, {transform_indices = @transform_1, window_bounds = array<i64: 1000, 1>}, {pipeline_mode = #tpu.pipeline_mode<synchronous>, transform_indices = @transform_2, window_bounds = array<i64: 64, 128>}, {pipeline_mode = #tpu.pipeline_mode<synchronous>, transform_indices = @transform_3, window_bounds = array<i64: 64>}, {pipeline_mode = #tpu.pipeline_mode<synchronous>, transform_indices = @transform_4, window_bounds = array<i64: 64, 128>}, {pipeline_mode = #tpu.pipeline_mode<synchronous>, transform_indices = @transform_5, window_bounds = array<i64: 64>}, {pipeline_mode = #tpu.pipeline_mode<synchronous>, transform_indices = @transform_6, window_bounds = array<i64: 64, 128>}, {pipeline_mode = #tpu.pipeline_mode<synchronous>, transform_indices = @transform_7, window_bounds = array<i64: 64>}, {pipeline_mode = #tpu.pipeline_mode<synchronous>, transform_indices = @transform_8, window_bounds = array<i64: 64, 128>}, {pipeline_mode = #tpu.pipeline_mode<synchronous>, transform_indices = @transform_9, window_bounds = array<i64: 64>}, {transform_indices = @transform_10, window_bounds = array<i64: 1000, 64>}, {transform_indices = @transform_11, window_bounds = array<i64: 1000, 144>}, {transform_indices = @transform_12, window_bounds = array<i64: 1000, 64>}]} {
    %get3A = arith.constant 0 : index
    %get3A_0 = arith.constant 0 : index
    %get3A_1 = vector.load %arg1[%get3A, %get3A_0] : memref<1000x128xf32, #tpu.memory_space<vmem>>, vector<1000x128xf32>
    %get3A_2 = arith.constant 0 : index
    %get3A_3 = arith.constant 0 : index
    %get3A_4 = vector.load %arg3[%get3A_2, %get3A_3] : memref<64x128xf32, #tpu.memory_space<vmem>>, vector<64x128xf32>
    %transpose3A = tpu.transpose %get3A_4, [1, 0] : vector<64x128xf32> -> vector<128x64xf32>
    %dot_general3A = arith.constant dense<0.000000e+00> : vector<1000x64xf32>
    %dot_general3A_5 = tpu.matmul %get3A_1, %transpose3A, %dot_general3A {dimension_numbers = #tpu.dot_dimension_numbers<[1], [0], [0], [1], [0, 0, 1, 1], [], []>, transpose_lhs_hint = false} : vector<1000x128xf32>, vector<128x64xf32>, vector<1000x64xf32> -> vector<1000x64xf32>
    %get3A_6 = arith.constant 0 : index
    %get3A_7 = vector.load %arg4[%get3A_6] : memref<64xf32, #tpu.memory_space<vmem>>, vector<64xf32>
    %broadcast_in_dim3A = vector.shape_cast %get3A_7 : vector<64xf32> to vector<1x64xf32>
    %add3A = vector.broadcast %broadcast_in_dim3A : vector<1x64xf32> to vector<1000x64xf32>
    %add3A_8 = arith.addf %dot_general3A_5, %add3A : vector<1000x64xf32>
    %swap3A = arith.constant 0 : index
    %swap3A_9 = arith.constant 0 : index
    %swap3A_10 = vector.load %arg11[%swap3A, %swap3A_9] : memref<1000x64xf32, #tpu.memory_space<vmem>>, vector<1000x64xf32>
    tpu.vector_store %arg11[%swap3A, %swap3A_9], %add3A_8 {strides = array<i32>} : memref<1000x64xf32, #tpu.memory_space<vmem>>, vector<1000x64xf32>,
    %get3A_11 = arith.constant 0 : index
    %get3A_12 = arith.constant 0 : index
    %get3A_13 = vector.load %arg5[%get3A_11, %get3A_12] : memref<64x128xf32, #tpu.memory_space<vmem>>, vector<64x128xf32>
    %transpose3A_14 = tpu.transpose %get3A_13, [1, 0] : vector<64x128xf32> -> vector<128x64xf32>
    %dot_general3A_15 = arith.constant dense<0.000000e+00> : vector<1000x64xf32>
    %dot_general3A_16 = tpu.matmul %get3A_1, %transpose3A_14, %dot_general3A_15 {dimension_numbers = #tpu.dot_dimension_numbers<[1], [0], [0], [1], [0, 0, 1, 1], [], []>, transpose_lhs_hint = false} : vector<1000x128xf32>, vector<128x64xf32>, vector<1000x64xf32> -> vector<1000x64xf32>
    %get3A_17 = arith.constant 0 : index
    %get3A_18 = vector.load %arg6[%get3A_17] : memref<64xf32, #tpu.memory_space<vmem>>, vector<64xf32>
    %broadcast_in_dim3A_19 = vector.shape_cast %get3A_18 : vector<64xf32> to vector<1x64xf32>
    %add3A_20 = vector.broadcast %broadcast_in_dim3A_19 : vector<1x64xf32> to vector<1000x64xf32>
    %add3A_21 = arith.addf %dot_general3A_16, %add3A_20 : vector<1000x64xf32>
    %get3A_22 = arith.constant 0 : index
    %get3A_23 = arith.constant 0 : index
    %get3A_24 = vector.load %arg7[%get3A_22, %get3A_23] : memref<64x128xf32, #tpu.memory_space<vmem>>, vector<64x128xf32>
    %transpose3A_25 = tpu.transpose %get3A_24, [1, 0] : vector<64x128xf32> -> vector<128x64xf32>
    %dot_general3A_26 = arith.constant dense<0.000000e+00> : vector<1000x64xf32>
    %dot_general3A_27 = tpu.matmul %get3A_1, %transpose3A_25, %dot_general3A_26 {dimension_numbers = #tpu.dot_dimension_numbers<[1], [0], [0], [1], [0, 0, 1, 1], [], []>, transpose_lhs_hint = false} : vector<1000x128xf32>, vector<128x64xf32>, vector<1000x64xf32> -> vector<1000x64xf32>
    %get3A_28 = arith.constant 0 : index
    %get3A_29 = vector.load %arg8[%get3A_28] : memref<64xf32, #tpu.memory_space<vmem>>, vector<64xf32>
    %broadcast_in_dim3A_30 = vector.shape_cast %get3A_29 : vector<64xf32> to vector<1x64xf32>
    %add3A_31 = vector.broadcast %broadcast_in_dim3A_30 : vector<1x64xf32> to vector<1000x64xf32>
    %add3A_32 = arith.addf %dot_general3A_27, %add3A_31 : vector<1000x64xf32>
    %get3A_33 = arith.constant 0 : index
    %get3A_34 = arith.constant 0 : index
    %get3A_35 = vector.load %arg9[%get3A_33, %get3A_34] : memref<64x128xf32, #tpu.memory_space<vmem>>, vector<64x128xf32>
    %transpose3A_36 = tpu.transpose %get3A_35, [1, 0] : vector<64x128xf32> -> vector<128x64xf32>
    %dot_general3A_37 = arith.constant dense<0.000000e+00> : vector<1000x64xf32>
    %dot_general3A_38 = tpu.matmul %get3A_1, %transpose3A_36, %dot_general3A_37 {dimension_numbers = #tpu.dot_dimension_numbers<[1], [0], [0], [1], [0, 0, 1, 1], [], []>, transpose_lhs_hint = false} : vector<1000x128xf32>, vector<128x64xf32>, vector<1000x64xf32> -> vector<1000x64xf32>
    %get3A_39 = arith.constant 0 : index
    %get3A_40 = vector.load %arg10[%get3A_39] : memref<64xf32, #tpu.memory_space<vmem>>, vector<64xf32>
    %broadcast_in_dim3A_41 = vector.shape_cast %get3A_40 : vector<64xf32> to vector<1x64xf32>
    %add3A_42 = vector.broadcast %broadcast_in_dim3A_41 : vector<1x64xf32> to vector<1000x64xf32>
    %add3A_43 = arith.addf %dot_general3A_38, %add3A_42 : vector<1000x64xf32>
    %swap3A_44 = arith.constant 0 : index
    %swap3A_45 = arith.constant 0 : index
    %swap3A_46 = vector.load %arg13[%swap3A_44, %swap3A_45] : memref<1000x64xf32, #tpu.memory_space<vmem>>, vector<1000x64xf32>
    tpu.vector_store %arg13[%swap3A_44, %swap3A_45], %add3A_43 {strides = array<i32>} : memref<1000x64xf32, #tpu.memory_space<vmem>>, vector<1000x64xf32>,
    %broadcast_in_dim3A_47 = arith.constant 0.000000e+00 : f32
    %broadcast_in_dim3A_48 = vector.broadcast %broadcast_in_dim3A_47 : f32 to vector<1000x15xf32>
    %get3A_49 = arith.constant 0 : index
    %get3A_50 = arith.constant 0 : index
    %get3A_51 = vector.load %arg2[%get3A_49, %get3A_50] : memref<1000x1xf32, #tpu.memory_space<vmem>>, vector<1000x1xf32>
    %concatenate3A = tpu.concatenate %add3A_21, %add3A_32, %get3A_51, %broadcast_in_dim3A_48 in 1 : vector<1000x64xf32>, vector<1000x64xf32>, vector<1000x1xf32>, vector<1000x15xf32> -> vector<1000x144xf32>
    %swap3A_52 = arith.constant 0 : index
    %swap3A_53 = arith.constant 0 : index
    %swap3A_54 = vector.load %arg12[%swap3A_52, %swap3A_53] : memref<1000x144xf32, #tpu.memory_space<vmem>>, vector<1000x144xf32>
    tpu.vector_store %arg12[%swap3A_52, %swap3A_53], %concatenate3A {strides = array<i32>} : memref<1000x144xf32, #tpu.memory_space<vmem>>, vector<1000x144xf32>,
    return
  }
  func.func @transform_0(%arg0: i32) -> (i32, i32) {
    %c0_i32 = arith.constant 0 : i32
    %c0_i32_0 = arith.constant 0 : i32
    return %arg0, %c0_i32 : i32, i32
  }
  func.func @transform_1(%arg0: i32) -> (i32, i32) {
    %c0_i32 = arith.constant 0 : i32
    %c0_i32_0 = arith.constant 0 : i32
    return %arg0, %c0_i32 : i32, i32
  }
  func.func @transform_2(%arg0: i32) -> (i32, i32) {
    %c0_i32 = arith.constant 0 : i32
    %c0_i32_0 = arith.constant 0 : i32
    %c0_i32_1 = arith.constant 0 : i32
    return %c0_i32, %c0_i32_0 : i32, i32
  }
  func.func @transform_3(%arg0: i32) -> i32 {
    %c0_i32 = arith.constant 0 : i32
    %c0_i32_0 = arith.constant 0 : i32
    return %c0_i32 : i32
  }
  func.func @transform_4(%arg0: i32) -> (i32, i32) {
    %c0_i32 = arith.constant 0 : i32
    %c0_i32_0 = arith.constant 0 : i32
    %c0_i32_1 = arith.constant 0 : i32
    return %c0_i32, %c0_i32_0 : i32, i32
  }
  func.func @transform_5(%arg0: i32) -> i32 {
    %c0_i32 = arith.constant 0 : i32
    %c0_i32_0 = arith.constant 0 : i32
    return %c0_i32 : i32
  }
  func.func @transform_6(%arg0: i32) -> (i32, i32) {
    %c0_i32 = arith.constant 0 : i32
    %c0_i32_0 = arith.constant 0 : i32
    %c0_i32_1 = arith.constant 0 : i32
    return %c0_i32, %c0_i32_0 : i32, i32
  }
  func.func @transform_7(%arg0: i32) -> i32 {
    %c0_i32 = arith.constant 0 : i32
    %c0_i32_0 = arith.constant 0 : i32
    return %c0_i32 : i32
  }
  func.func @transform_8(%arg0: i32) -> (i32, i32) {
    %c0_i32 = arith.constant 0 : i32
    %c0_i32_0 = arith.constant 0 : i32
    %c0_i32_1 = arith.constant 0 : i32
    return %c0_i32, %c0_i32_0 : i32, i32
  }
  func.func @transform_9(%arg0: i32) -> i32 {
    %c0_i32 = arith.constant 0 : i32
    %c0_i32_0 = arith.constant 0 : i32
    return %c0_i32 : i32
  }
  func.func @transform_10(%arg0: i32) -> (i32, i32) {
    %c0_i32 = arith.constant 0 : i32
    %c0_i32_0 = arith.constant 0 : i32
    return %arg0, %c0_i32 : i32, i32
  }
  func.func @transform_11(%arg0: i32) -> (i32, i32) {
    %c0_i32 = arith.constant 0 : i32
    %c0_i32_0 = arith.constant 0 : i32
    return %arg0, %c0_i32 : i32, i32
  }
  func.func @transform_12(%arg0: i32) -> (i32, i32) {
    %c0_i32 = arith.constant 0 : i32
    %c0_i32_0 = arith.constant 0 : i32
    return %arg0, %c0_i32 : i32, i32
  }
}

module attributes {stable_mosaic.version = 14 : i64} {
  func.func @_edge_body(%arg0: i32, %arg1: memref<2048x144xf32, #tpu.memory_space<vmem>>, %arg2: memref<2048x64xf32, #tpu.memory_space<vmem>>, %arg3: memref<2048x16xf32, #tpu.memory_space<vmem>>, %arg4: memref<2048xf32, #tpu.memory_space<vmem>>, %arg5: memref<32x64xf32, #tpu.memory_space<vmem>>, %arg6: memref<16x64xf32, #tpu.memory_space<vmem>>, %arg7: memref<1x32xf32, #tpu.memory_space<vmem>>, %arg8: memref<1x32xf32, #tpu.memory_space<vmem>>, %arg9: memref<2048x64xf32, #tpu.memory_space<vmem>>, %arg10: memref<2048x8xf32, #tpu.memory_space<vmem>>) attributes {dimension_semantics = [#tpu.dimension_semantics<arbitrary>], iteration_bounds = array<i64: 294>, scalar_prefetch = 0 : i64, scratch_operands = 0 : i64, tpu.core_type = #tpu.core_type<tc>, window_params = [{transform_indices = @transform_0, window_bounds = array<i64: 2048, 144>}, {transform_indices = @transform_1, window_bounds = array<i64: 2048, 64>}, {transform_indices = @transform_2, window_bounds = array<i64: 2048, 16>}, {transform_indices = @transform_3, window_bounds = array<i64: 2048>}, {pipeline_mode = #tpu.pipeline_mode<synchronous>, transform_indices = @transform_4, window_bounds = array<i64: 32, 64>}, {pipeline_mode = #tpu.pipeline_mode<synchronous>, transform_indices = @transform_5, window_bounds = array<i64: 16, 64>}, {pipeline_mode = #tpu.pipeline_mode<synchronous>, transform_indices = @transform_6, window_bounds = array<i64: 1, 32>}, {pipeline_mode = #tpu.pipeline_mode<synchronous>, transform_indices = @transform_7, window_bounds = array<i64: 1, 32>}, {transform_indices = @transform_8, window_bounds = array<i64: 2048, 64>}, {transform_indices = @transform_9, window_bounds = array<i64: 2048, 8>}]} {
    %get3A = arith.constant 0 : index
    %get3A_0 = arith.constant 0 : index
    %get3A_1 = vector.load %arg1[%get3A, %get3A_0] : memref<2048x144xf32, #tpu.memory_space<vmem>>, vector<2048x144xf32>
    %slice3A = vector.extract_strided_slice %get3A_1 {offsets = [0, 0], sizes = [2048, 64], strides = [1, 1]} : vector<2048x144xf32> to vector<2048x64xf32>
    %slice3A_2 = vector.extract_strided_slice %get3A_1 {offsets = [0, 64], sizes = [2048, 64], strides = [1, 1]} : vector<2048x144xf32> to vector<2048x64xf32>
    %slice3A_3 = vector.extract_strided_slice %get3A_1 {offsets = [0, 128], sizes = [2048, 1], strides = [1, 1]} : vector<2048x144xf32> to vector<2048x1xf32>
    %get3A_4 = arith.constant 0 : index
    %get3A_5 = vector.load %arg4[%get3A_4] : memref<2048xf32, #tpu.memory_space<vmem>>, vector<2048xf32>
    %reshape3A = vector.shape_cast %get3A_5 : vector<2048xf32> to vector<2048x1xf32>
    %sub3A = arith.subf %reshape3A, %slice3A_3 : vector<2048x1xf32>
    %get3A_6 = arith.constant 0 : index
    %get3A_7 = arith.constant 0 : index
    %get3A_8 = vector.load %arg7[%get3A_6, %get3A_7] : memref<1x32xf32, #tpu.memory_space<vmem>>, vector<1x32xf32>
    %mul3A = vector.broadcast %sub3A : vector<2048x1xf32> to vector<2048x32xf32>
    %mul3A_9 = vector.broadcast %get3A_8 : vector<1x32xf32> to vector<2048x32xf32>
    %mul3A_10 = arith.mulf %mul3A, %mul3A_9 : vector<2048x32xf32>
    %get3A_11 = arith.constant 0 : index
    %get3A_12 = arith.constant 0 : index
    %get3A_13 = vector.load %arg8[%get3A_11, %get3A_12] : memref<1x32xf32, #tpu.memory_space<vmem>>, vector<1x32xf32>
    %add3A = vector.broadcast %get3A_13 : vector<1x32xf32> to vector<2048x32xf32>
    %add3A_14 = arith.addf %mul3A_10, %add3A : vector<2048x32xf32>
    %mul3A_15 = arith.constant 0.159154937 : f32
    %mul3A_16 = vector.broadcast %mul3A_15 : f32 to vector<2048x32xf32>
    %mul3A_17 = arith.mulf %add3A_14, %mul3A_16 : vector<2048x32xf32>
    %add3A_18 = arith.constant 0x4B400000 : f32
    %add3A_19 = vector.broadcast %add3A_18 : f32 to vector<2048x32xf32>
    %add3A_20 = arith.addf %mul3A_17, %add3A_19 : vector<2048x32xf32>
    %sub3A_21 = arith.constant 0x4B400000 : f32
    %sub3A_22 = vector.broadcast %sub3A_21 : f32 to vector<2048x32xf32>
    %sub3A_23 = arith.subf %add3A_20, %sub3A_22 : vector<2048x32xf32>
    %sub3A_24 = arith.subf %mul3A_17, %sub3A_23 : vector<2048x32xf32>
    %mul3A_25 = arith.mulf %sub3A_24, %sub3A_24 : vector<2048x32xf32>
    %mul3A_26 = arith.constant 6.5755024 : f32
    %mul3A_27 = vector.broadcast %mul3A_26 : f32 to vector<2048x32xf32>
    %mul3A_28 = arith.mulf %mul3A_27, %mul3A_25 : vector<2048x32xf32>
    %add3A_29 = arith.constant -26.0004559 : f32
    %add3A_30 = vector.broadcast %add3A_29 : f32 to vector<2048x32xf32>
    %add3A_31 = arith.addf %mul3A_28, %add3A_30 : vector<2048x32xf32>
    %mul3A_32 = arith.mulf %add3A_31, %mul3A_25 : vector<2048x32xf32>
    %add3A_33 = arith.constant 60.1762123 : f32
    %add3A_34 = vector.broadcast %add3A_33 : f32 to vector<2048x32xf32>
    %add3A_35 = arith.addf %mul3A_32, %add3A_34 : vector<2048x32xf32>
    %mul3A_36 = arith.mulf %add3A_35, %mul3A_25 : vector<2048x32xf32>
    %add3A_37 = arith.constant -85.4511642 : f32
    %add3A_38 = vector.broadcast %add3A_37 : f32 to vector<2048x32xf32>
    %add3A_39 = arith.addf %mul3A_36, %add3A_38 : vector<2048x32xf32>
    %mul3A_40 = arith.mulf %add3A_39, %mul3A_25 : vector<2048x32xf32>
    %add3A_41 = arith.constant 64.9391708 : f32
    %add3A_42 = vector.broadcast %add3A_41 : f32 to vector<2048x32xf32>
    %add3A_43 = arith.addf %mul3A_40, %add3A_42 : vector<2048x32xf32>
    %mul3A_44 = arith.mulf %add3A_43, %mul3A_25 : vector<2048x32xf32>
    %add3A_45 = arith.constant -19.7392063 : f32
    %add3A_46 = vector.broadcast %add3A_45 : f32 to vector<2048x32xf32>
    %add3A_47 = arith.addf %mul3A_44, %add3A_46 : vector<2048x32xf32>
    %mul3A_48 = arith.mulf %add3A_47, %mul3A_25 : vector<2048x32xf32>
    %add3A_49 = arith.constant 1.000000e+00 : f32
    %add3A_50 = vector.broadcast %add3A_49 : f32 to vector<2048x32xf32>
    %add3A_51 = arith.addf %mul3A_48, %add3A_50 : vector<2048x32xf32>
    %get3A_52 = arith.constant 0 : index
    %get3A_53 = arith.constant 0 : index
    %get3A_54 = vector.load %arg5[%get3A_52, %get3A_53] : memref<32x64xf32, #tpu.memory_space<vmem>>, vector<32x64xf32>
    %dot_general3A = arith.constant dense<0.000000e+00> : vector<2048x64xf32>
    %dot_general3A_55 = tpu.matmul %add3A_51, %get3A_54, %dot_general3A {dimension_numbers = #tpu.dot_dimension_numbers<[1], [0], [0], [1], [0, 0, 1, 1], [], []>, transpose_lhs_hint = false} : vector<2048x32xf32>, vector<32x64xf32>, vector<2048x64xf32> -> vector<2048x64xf32>
    %get3A_56 = arith.constant 0 : index
    %get3A_57 = arith.constant 0 : index
    %get3A_58 = vector.load %arg3[%get3A_56, %get3A_57] : memref<2048x16xf32, #tpu.memory_space<vmem>>, vector<2048x16xf32>
    %get3A_59 = arith.constant 0 : index
    %get3A_60 = arith.constant 0 : index
    %get3A_61 = vector.load %arg6[%get3A_59, %get3A_60] : memref<16x64xf32, #tpu.memory_space<vmem>>, vector<16x64xf32>
    %dot_general3A_62 = arith.constant dense<0.000000e+00> : vector<2048x64xf32>
    %dot_general3A_63 = tpu.matmul %get3A_58, %get3A_61, %dot_general3A_62 {dimension_numbers = #tpu.dot_dimension_numbers<[1], [0], [0], [1], [0, 0, 1, 1], [], []>, transpose_lhs_hint = false} : vector<2048x16xf32>, vector<16x64xf32>, vector<2048x64xf32> -> vector<2048x64xf32>
    %add3A_64 = arith.addf %dot_general3A_55, %dot_general3A_63 : vector<2048x64xf32>
    %add3A_65 = arith.addf %slice3A, %add3A_64 : vector<2048x64xf32>
    %get3A_66 = arith.constant 0 : index
    %get3A_67 = arith.constant 0 : index
    %get3A_68 = vector.load %arg2[%get3A_66, %get3A_67] : memref<2048x64xf32, #tpu.memory_space<vmem>>, vector<2048x64xf32>
    %slice3A_69 = vector.extract_strided_slice %get3A_68 {offsets = [0, 0], sizes = [2048, 32], strides = [1, 1]} : vector<2048x64xf32> to vector<2048x32xf32>
    %slice3A_70 = vector.extract_strided_slice %add3A_65 {offsets = [0, 0], sizes = [2048, 32], strides = [1, 1]} : vector<2048x64xf32> to vector<2048x32xf32>
    %mul3A_71 = arith.mulf %slice3A_69, %slice3A_70 : vector<2048x32xf32>
    %reduce_sum3A = arith.constant dense<0.000000e+00> : vector<2048xf32>
    %reduce_sum3A_72 = vector.multi_reduction <add>, %mul3A_71, %reduce_sum3A [1] : vector<2048x32xf32> to vector<2048xf32>
    %broadcast_in_dim3A = vector.shape_cast %reduce_sum3A_72 : vector<2048xf32> to vector<2048x1xf32>
    %mul3A_73 = arith.constant 0.176776692 : f32
    %mul3A_74 = vector.broadcast %mul3A_73 : f32 to vector<2048x1xf32>
    %mul3A_75 = arith.mulf %broadcast_in_dim3A, %mul3A_74 : vector<2048x1xf32>
    %slice3A_76 = vector.extract_strided_slice %get3A_68 {offsets = [0, 32], sizes = [2048, 32], strides = [1, 1]} : vector<2048x64xf32> to vector<2048x32xf32>
    %slice3A_77 = vector.extract_strided_slice %add3A_65 {offsets = [0, 32], sizes = [2048, 32], strides = [1, 1]} : vector<2048x64xf32> to vector<2048x32xf32>
    %mul3A_78 = arith.mulf %slice3A_76, %slice3A_77 : vector<2048x32xf32>
    %reduce_sum3A_79 = arith.constant dense<0.000000e+00> : vector<2048xf32>
    %reduce_sum3A_80 = vector.multi_reduction <add>, %mul3A_78, %reduce_sum3A_79 [1] : vector<2048x32xf32> to vector<2048xf32>
    %broadcast_in_dim3A_81 = vector.shape_cast %reduce_sum3A_80 : vector<2048xf32> to vector<2048x1xf32>
    %mul3A_82 = arith.constant 0.176776692 : f32
    %mul3A_83 = vector.broadcast %mul3A_82 : f32 to vector<2048x1xf32>
    %mul3A_84 = arith.mulf %broadcast_in_dim3A_81, %mul3A_83 : vector<2048x1xf32>
    %exp3A = math.exp %mul3A_75 : vector<2048x1xf32>
    %exp3A_85 = math.exp %mul3A_84 : vector<2048x1xf32>
    %add3A_86 = arith.addf %slice3A_2, %add3A_64 : vector<2048x64xf32>
    %slice3A_87 = vector.extract_strided_slice %add3A_86 {offsets = [0, 0], sizes = [2048, 32], strides = [1, 1]} : vector<2048x64xf32> to vector<2048x32xf32>
    %mul3A_88 = vector.broadcast %exp3A : vector<2048x1xf32> to vector<2048x32xf32>
    %mul3A_89 = arith.mulf %slice3A_87, %mul3A_88 : vector<2048x32xf32>
    %slice3A_90 = vector.extract_strided_slice %add3A_86 {offsets = [0, 32], sizes = [2048, 32], strides = [1, 1]} : vector<2048x64xf32> to vector<2048x32xf32>
    %mul3A_91 = vector.broadcast %exp3A_85 : vector<2048x1xf32> to vector<2048x32xf32>
    %mul3A_92 = arith.mulf %slice3A_90, %mul3A_91 : vector<2048x32xf32>
    %concatenate3A = tpu.concatenate %mul3A_89, %mul3A_92 in 1 : vector<2048x32xf32>, vector<2048x32xf32> -> vector<2048x64xf32>
    %swap3A = arith.constant 0 : index
    %swap3A_93 = arith.constant 0 : index
    %swap3A_94 = vector.load %arg9[%swap3A, %swap3A_93] : memref<2048x64xf32, #tpu.memory_space<vmem>>, vector<2048x64xf32>
    tpu.vector_store %arg9[%swap3A, %swap3A_93], %concatenate3A {strides = array<i32>} : memref<2048x64xf32, #tpu.memory_space<vmem>>, vector<2048x64xf32>,
    %broadcast_in_dim3A_95 = arith.constant 0.000000e+00 : f32
    %broadcast_in_dim3A_96 = vector.broadcast %broadcast_in_dim3A_95 : f32 to vector<2048x6xf32>
    %concatenate3A_97 = tpu.concatenate %exp3A, %exp3A_85, %broadcast_in_dim3A_96 in 1 : vector<2048x1xf32>, vector<2048x1xf32>, vector<2048x6xf32> -> vector<2048x8xf32>
    %swap3A_98 = arith.constant 0 : index
    %swap3A_99 = arith.constant 0 : index
    %swap3A_100 = vector.load %arg10[%swap3A_98, %swap3A_99] : memref<2048x8xf32, #tpu.memory_space<vmem>>, vector<2048x8xf32>
    tpu.vector_store %arg10[%swap3A_98, %swap3A_99], %concatenate3A_97 {strides = array<i32>} : memref<2048x8xf32, #tpu.memory_space<vmem>>, vector<2048x8xf32>,
    return
  }
  func.func @transform_0(%arg0: i32) -> (i32, i32) {
    %c0_i32 = arith.constant 0 : i32
    %c0_i32_0 = arith.constant 0 : i32
    return %arg0, %c0_i32 : i32, i32
  }
  func.func @transform_1(%arg0: i32) -> (i32, i32) {
    %c0_i32 = arith.constant 0 : i32
    %c0_i32_0 = arith.constant 0 : i32
    return %arg0, %c0_i32 : i32, i32
  }
  func.func @transform_2(%arg0: i32) -> (i32, i32) {
    %c0_i32 = arith.constant 0 : i32
    %c0_i32_0 = arith.constant 0 : i32
    return %arg0, %c0_i32 : i32, i32
  }
  func.func @transform_3(%arg0: i32) -> i32 {
    %c0_i32 = arith.constant 0 : i32
    return %arg0 : i32
  }
  func.func @transform_4(%arg0: i32) -> (i32, i32) {
    %c0_i32 = arith.constant 0 : i32
    %c0_i32_0 = arith.constant 0 : i32
    %c0_i32_1 = arith.constant 0 : i32
    return %c0_i32, %c0_i32_0 : i32, i32
  }
  func.func @transform_5(%arg0: i32) -> (i32, i32) {
    %c0_i32 = arith.constant 0 : i32
    %c0_i32_0 = arith.constant 0 : i32
    %c0_i32_1 = arith.constant 0 : i32
    return %c0_i32, %c0_i32_0 : i32, i32
  }
  func.func @transform_6(%arg0: i32) -> (i32, i32) {
    %c0_i32 = arith.constant 0 : i32
    %c0_i32_0 = arith.constant 0 : i32
    %c0_i32_1 = arith.constant 0 : i32
    return %c0_i32, %c0_i32_0 : i32, i32
  }
  func.func @transform_7(%arg0: i32) -> (i32, i32) {
    %c0_i32 = arith.constant 0 : i32
    %c0_i32_0 = arith.constant 0 : i32
    %c0_i32_1 = arith.constant 0 : i32
    return %c0_i32, %c0_i32_0 : i32, i32
  }
  func.func @transform_8(%arg0: i32) -> (i32, i32) {
    %c0_i32 = arith.constant 0 : i32
    %c0_i32_0 = arith.constant 0 : i32
    return %arg0, %c0_i32 : i32, i32
  }
  func.func @transform_9(%arg0: i32) -> (i32, i32) {
    %c0_i32 = arith.constant 0 : i32
    %c0_i32_0 = arith.constant 0 : i32
    return %arg0, %c0_i32 : i32, i32
  }
}

module attributes {stable_mosaic.version = 14 : i64} {
  func.func @_final_body(%arg0: i32, %arg1: memref<1000x64xf32, #tpu.memory_space<vmem>>, %arg2: memref<1000x8xf32, #tpu.memory_space<vmem>>, %arg3: memref<1000x64xf32, #tpu.memory_space<vmem>>, %arg4: memref<1000x64xf32, #tpu.memory_space<vmem>>) attributes {dimension_semantics = [#tpu.dimension_semantics<arbitrary>], iteration_bounds = array<i64: 50>, scalar_prefetch = 0 : i64, scratch_operands = 0 : i64, tpu.core_type = #tpu.core_type<tc>, window_params = [{transform_indices = @transform_0, window_bounds = array<i64: 1000, 64>}, {transform_indices = @transform_1, window_bounds = array<i64: 1000, 8>}, {transform_indices = @transform_2, window_bounds = array<i64: 1000, 64>}, {transform_indices = @transform_3, window_bounds = array<i64: 1000, 64>}]} {
    %get3A = arith.constant 0 : index
    %get3A_0 = arith.constant 0 : index
    %get3A_1 = vector.load %arg1[%get3A, %get3A_0] : memref<1000x64xf32, #tpu.memory_space<vmem>>, vector<1000x64xf32>
    %get3A_2 = arith.constant 0 : index
    %get3A_3 = arith.constant 0 : index
    %get3A_4 = vector.load %arg2[%get3A_2, %get3A_3] : memref<1000x8xf32, #tpu.memory_space<vmem>>, vector<1000x1xf32>
    %add3A = arith.constant 1.000000e-16 : f32
    %add3A_5 = vector.broadcast %add3A : f32 to vector<1000x1xf32>
    %add3A_6 = arith.addf %get3A_4, %add3A_5 : vector<1000x1xf32>
    %get3A_7 = arith.constant 0 : index
    %get3A_8 = arith.constant 1 : index
    %get3A_9 = vector.load %arg2[%get3A_7, %get3A_8] : memref<1000x8xf32, #tpu.memory_space<vmem>>, vector<1000x1xf32>
    %add3A_10 = arith.constant 1.000000e-16 : f32
    %add3A_11 = vector.broadcast %add3A_10 : f32 to vector<1000x1xf32>
    %add3A_12 = arith.addf %get3A_9, %add3A_11 : vector<1000x1xf32>
    %slice3A = vector.extract_strided_slice %get3A_1 {offsets = [0, 0], sizes = [1000, 32], strides = [1, 1]} : vector<1000x64xf32> to vector<1000x32xf32>
    %div3A = vector.broadcast %add3A_6 : vector<1000x1xf32> to vector<1000x32xf32>
    %div3A_13 = arith.divf %slice3A, %div3A : vector<1000x32xf32>
    %slice3A_14 = vector.extract_strided_slice %get3A_1 {offsets = [0, 32], sizes = [1000, 32], strides = [1, 1]} : vector<1000x64xf32> to vector<1000x32xf32>
    %div3A_15 = vector.broadcast %add3A_12 : vector<1000x1xf32> to vector<1000x32xf32>
    %div3A_16 = arith.divf %slice3A_14, %div3A_15 : vector<1000x32xf32>
    %concatenate3A = tpu.concatenate %div3A_13, %div3A_16 in 1 : vector<1000x32xf32>, vector<1000x32xf32> -> vector<1000x64xf32>
    %get3A_17 = arith.constant 0 : index
    %get3A_18 = arith.constant 0 : index
    %get3A_19 = vector.load %arg3[%get3A_17, %get3A_18] : memref<1000x64xf32, #tpu.memory_space<vmem>>, vector<1000x64xf32>
    %add3A_20 = arith.addf %concatenate3A, %get3A_19 : vector<1000x64xf32>
    %swap3A = arith.constant 0 : index
    %swap3A_21 = arith.constant 0 : index
    %swap3A_22 = vector.load %arg4[%swap3A, %swap3A_21] : memref<1000x64xf32, #tpu.memory_space<vmem>>, vector<1000x64xf32>
    tpu.vector_store %arg4[%swap3A, %swap3A_21], %add3A_20 {strides = array<i32>} : memref<1000x64xf32, #tpu.memory_space<vmem>>, vector<1000x64xf32>,
    return
  }
  func.func @transform_0(%arg0: i32) -> (i32, i32) {
    %c0_i32 = arith.constant 0 : i32
    %c0_i32_0 = arith.constant 0 : i32
    return %arg0, %c0_i32 : i32, i32
  }
  func.func @transform_1(%arg0: i32) -> (i32, i32) {
    %c0_i32 = arith.constant 0 : i32
    %c0_i32_0 = arith.constant 0 : i32
    return %arg0, %c0_i32 : i32, i32
  }
  func.func @transform_2(%arg0: i32) -> (i32, i32) {
    %c0_i32 = arith.constant 0 : i32
    %c0_i32_0 = arith.constant 0 : i32
    return %arg0, %c0_i32 : i32, i32
  }
  func.func @transform_3(%arg0: i32) -> (i32, i32) {
    %c0_i32 = arith.constant 0 : i32
    %c0_i32_0 = arith.constant 0 : i32
    return %arg0, %c0_i32 : i32, i32
  }
}

</mosaic_0001>

<sc_bundles>
// kernel: kernel.11.cloned.1.call-start
scs
__scs_entry_jumppad:
0x0: {  	(pc) =	sbr.rel $0x88, $3  }
0x1: {  	(tag) =	ssettag $0x0;
	lr =	simm.s32 $0x1  }
0x2: {  	[smem:$0x3F8E] =	sst lr;
	_ =	strace $0xD0000000  }
0x3: {  	_ = 	snop  }
0x4: {  	_ = 	snop  }
0x5: {  	_ = 	snop  }
0x6: {  	_ = 	snop  }
0x7: {  	_ = 	snop  }
__scs_overlays_trampoline_lowered:
0x8: {  	[smem:$0x3F9D] =	sst s0  }
0x9: {  	[smem:$0x3F9E] =	sst s1  }
0xa: {  	[smem:$0x3F9F] =	sst s2  }
0xb: {  	[smem:$0x3FA0] =	sst s3  }
0xc: {  	[smem:$0x3FA1] =	sst s4  }
0xd: {  	[smem:$0x3FA2] =	sst s5  }
0xe: {  	[smem:$0x3FA3] =	sst s6  }
0xf: {  	[smem:$0x3FA4] =	sst s7  }
0x10: {  	[smem:$0x3FA5] =	sst s8  }
0x11: {  	[smem:$0x3FA6] =	sst s9;
	s0 =	simm.s32 @!p0 $0x0  }
0x12: {  	s1 =	sld [smem:$0x3F8C];
	s0 =	simm.s32 @p0 $0x1  }
0x13: {  	[smem:$0x3FA7] =	sst s0;
	s0 =	simm.s32 @!p1 $0x0  }
0x14: {  	s2 =	sld [smem:$0x3F8B];
	s0 =	simm.s32 @p1 $0x1  }
0x15: {  	[smem:$0x3FA8] =	sst s0;
	s0 =	simm.s32 @!p2 $0x0  }
0x16: {  	s3 =	sld [smem:$0x3FDB];
	s0 =	simm.s32 @p2 $0x1  }
0x17: {  	s4 =	simm.s32 $0x1BF5;
	[smem:$0x3FAA] =	sst s0  }
0x18: {  	s0 =	sld [smem:$0x3F8D];
	_ =	swait.ge [sflag:s4], $0x0  }
0x19: {  	s7 =	sld [smem:$0x3F8E]  }
0x1a: {  	s8 =	sadd.s32 $0xFFFFE003, lr  }
0x1b: {  	s9 =	sadd.s32 $0xFFFFFEF7, lr;
	s5 =	simm.s32 $0xFFFFFFFF;
	p2 =	slt.u32 s8, $0xFFFFF086  }
0x1c: {  	p1 =	slt.u32 s9, $0xF7A;
	s5 =	simm.s32 @!p2 $0x0  }
0x1d: {  	s5 =	simm.s32 @p1 $0x1;
	p0 =	seq.s32 s7, s2  }
0x1e: {  	s7 =	smul.u32 @!p0 $0xF7A, s2;
	p2 =	seq.s32 @!p0 s5, $0x0  }
0x1f: {  	s9 =	smul.u32 $0xF7A, s1;
	s8 =	simm.s32 @!p0 $0x1BF5;
	p2 =	por !p2, p0  }
0x20: {  	[sflag:s8] =	ssyncset.s32 @!p0 $0xFFFFF086;
	s6 =	sadd.s32 @!p0 s3, s7;
	s7 =	simm.s32 @!p0 $0x108  }
0x21: {  	s3 =	sadd.s32 s3, s9;
	s6 =	sadd.s32 @!p0 $0x88, s6;
	s7 =	simm.s32 @p2 $0x1082  }
0x22: {  	[simem:s7], [sflag:s8] =	dma.local @!p0 [hbm:s6], $0xF7A  }
0x23: {  	s9 =	sor.u32 $0xD0000000, s2;
	s6 =	simm.s32 $0x108;
	_ =	swait.ge @!p0 [sflag:s8], $0x0  }
0x24: {  	s3 =	sadd.s32 $0x88, s3;
	s6 =	simm.s32 @!p1 $0x1082;
	[sflag:s4] =	ssyncset.s32 $0xFFFFF086  }
0x25: {  	[simem:s6], [sflag:s4] =	dma.local [hbm:s3], $0xF7A  }
0x26: {  	[smem:$0x3F8E] =	sst s1;
	(tag) =	ssettag s2;
	_ =	strace s9  }
0x27: {  	s1 =	sld [smem:$0x3F9E]  }
0x28: {  	s2 =	sld [smem:$0x3F9F]  }
0x29: {  	s4 =	sld [smem:$0x3FA1]  }
0x2a: {  	p0 =	seq.s32 s5, $0x0;
	s5 =	sld [smem:$0x3FA2]  }
0x2b: {  	s6 =	sld [smem:$0x3FA3]  }
0x2c: {  	s7 =	sld [smem:$0x3FA4]  }
0x2d: {  	s3 =	simm.s32 $0x108;
	s8 =	sld [smem:$0x3FA5]  }
0x2e: {  	s3 =	simm.s32 @!p0 $0x1082;
	s9 =	sld [smem:$0x3FA6]  }
0x2f: {  	lr =	sadd.s32 s0, s3;
	s0 =	sld [smem:$0x3F9D]  }
0x30: {  	s3 =	sld [smem:$0x3FA0]  }
0x31: {  	[smem:$0x3FA9] =	sst s10  }
0x32: {  	s10 =	sld [smem:$0x3FA7];
	_ =	sdelay $0x3  }
0x33: {  	p0 =	seq.s32 s10, $0x1;
	s10 =	sld [smem:$0x3FA9];
	_ =	sdelay $0x3  }
0x34: {  	[smem:$0x3FA9] =	sst s10  }
0x35: {  	s10 =	sld [smem:$0x3FA8];
	_ =	sdelay $0x3  }
0x36: {  	p1 =	seq.s32 s10, $0x1;
	s10 =	sld [smem:$0x3FA9];
	_ =	sdelay $0x3  }
0x37: {  	[smem:$0x3FA9] =	sst s10  }
0x38: {  	s10 =	sld [smem:$0x3FAA]  }
0x39: {  	_ = 	snop;
	(pc) =	sbr.ind lr, $3  }
0x3a: {  	_ = 	snop  }
0x3b: {  	_ = 	snop  }
0x3c: {  	p2 =	seq.s32 s10, $0x1;
	s10 =	sld [smem:$0x3FA9]  }
0x3d: {  	_ =	shalt  }
0x3e: {  	_ =	shalt  }
0x3f: {  	_ =	shalt  }
0x40: {  	_ =	shalt  }
0x41: {  	_ =	shalt  }
0x42: {  	_ =	shalt  }
0x43: {  	_ =	shalt  }
0x44: {  	_ =	shalt  }
0x45: {  	_ =	shalt  }
0x46: {  	_ =	shalt  }
0x47: {  	_ =	shalt  }
0x48: {  	_ =	shalt  }
0x49: {  	_ =	shalt  }
0x4a: {  	_ =	shalt  }
0x4b: {  	_ =	shalt  }
0x4c: {  	_ =	shalt  }
0x4d: {  	_ =	shalt  }
0x4e: {  	_ =	shalt  }
0x4f: {  	_ =	shalt  }
0x50: {  	_ =	shalt  }
0x51: {  	_ =	shalt  }
0x52: {  	_ =	shalt  }
0x53: {  	_ =	shalt  }
0x54: {  	_ =	shalt  }
0x55: {  	_ =	shalt  }
0x56: {  	_ =	shalt  }
0x57: {  	_ =	shalt  }
0x58: {  	_ =	shalt  }
0x59: {  	_ =	shalt  }
0x5a: {  	_ =	shalt  }
0x5b: {  	_ =	shalt  }
0x5c: {  	_ =	shalt  }
0x5d: {  	_ =	shalt  }
0x5e: {  	_ =	shalt  }
0x5f: {  	_ =	shalt  }
0x60: {  	_ =	shalt  }
0x61: {  	_ =	shalt  }
0x62: {  	_ =	shalt  }
0x63: {  	_ =	shalt  }
0x64: {  	_ =	shalt  }
0x65: {  	_ =	shalt  }
0x66: {  	_ =	shalt  }
0x67: {  	_ =	shalt  }
0x68: {  	_ =	shalt  }
0x69: {  	_ =	shalt  }
0x6a: {  	_ =	shalt  }
0x6b: {  	_ =	shalt  }
0x6c: {  	_ =	shalt  }
0x6d: {  	_ =	shalt  }
0x6e: {  	_ =	shalt  }
0x6f: {  	_ =	shalt  }
0x70: {  	_ =	shalt  }
0x71: {  	_ =	shalt  }
0x72: {  	_ =	shalt  }
0x73: {  	_ =	shalt  }
0x74: {  	_ =	shalt  }
0x75: {  	_ =	shalt  }
0x76: {  	_ =	shalt  }
0x77: {  	_ =	shalt  }
0x78: {  	_ =	shalt  }
0x79: {  	_ =	shalt  }
0x7a: {  	_ =	shalt  }
0x7b: {  	_ =	shalt  }
0x7c: {  	_ =	shalt  }
0x7d: {  	_ =	shalt  }
0x7e: {  	_ =	shalt  }
0x7f: {  	_ =	shalt  }
0x80: {  	_ =	shalt  }
0x81: {  	_ =	shalt  }
0x82: {  	_ =	shalt  }
0x83: {  	_ =	shalt  }
0x84: {  	_ =	shalt  }
0x85: {  	_ =	shalt  }
0x86: {  	_ =	shalt  }
0x87: {  	_ =	shalt  }
.Lfunc_end0:
.L_simem_size_0:
called_computation.1_lowered:
.L_overlay_start_0:
0x88: {  	s2 =	sld [smem:$0x3FD9]  }
0x89: {  	s3 =	sld [smem:$0x3FFE];
	_ =	sdelay $0x1  }
0x8a: {  	s1 =	srdreg.scid  }
0x8b: {  	s0 =	sand.u32 $0x1, s1  }
0x8c: {  	s17 =	sshll.u32 s0, $0xA;
	s2 =	sadd.s32 s3, s2  }
0x8d: {  	s2 =	sadd.s32 s2, s17  }
0x8e: {  	[smem:$0x3FB5] =	sst s2  }
0x8f: {  	_ = 	snop  }
0x90: {  	s2 =	sld [smem:$0x3FC4]  }
0x91: {  	s18 =	sld [smem:$0x3FD0];
	(tm) =	ssettm $0x1  }
0x92: {  	s4 =	sld [smem:$0x3FFB];
	_ =	sdelay $0x3  }
0x93: {  	_ =	strace s4  }
0x94: {  	s4 =	sld [smem:$0x3FFC];
	_ =	sdelay $0x3  }
0x95: {  	_ =	strace s4  }
0x96: {  	s4 =	sld [smem:$0x3FFD];
	_ =	sdelay $0x3  }
0x97: {  	_ =	strace s4  }
0x98: {  	_ =	strace $0x8FFFFFFF  }
0x99: {  	s19 =	sld [smem:$0x3FDB];
	_ =	sdelay $0x1  }
0x9a: {  	s5 =	simm.s32 $_scs_section_size  }
0x9b: {  	s6 =	simm.s32 $_size__tile_overlayer_lowered;
	s7 =	simm.s32 $_tile_overlayer_lowered  }
0x9c: {  	s22 =	simm.s32 $0x1BFF;
	s21 =	sshll.u32 s7, $0x1;
	s4 =	sadd.s32 s5, s19  }
0x9d: {  	s8 =	simm.s32 $0x0;
	s20 =	sshll.u32 s6, $0x1;
	s6 =	sadd.s32 s21, s4  }
0x9e: {  	[timem:s8], [sflag:s22] =	dma.local [hbm:s6], s20  }
0x9f: {  	_ =	swait.ge [sflag:s22], s20  }
0xa0: {  	s5 =	ssub.s32 $0x0, s20;
	[sflag:s22] =	ssyncset.done $0x0  }
0xa1: {  	[sflag:s22] =	ssyncadd.s32 s5;
	_ =	sdelay $0x1  }
0xa2: {  	s23 =	simm.s32 $0x1B8B  }
0xa3: {  	_ =	swait.ge [sflag:s23], $0x1  }
0xa4: {  	[sflag:s23] =	ssyncset.done $0x0  }
0xa5: {  	s25 =	simm.s32 $0x1B8E;
	s24 =	sld [smem:$0x3FFE];
	[sflag:s23] =	ssyncadd.s32 $0xFFFFFFFF  }
0xa6: {  	s26 =	simm.s32 $execute0_lowered;
	[smem:$0x3FD2] =	sst s25  }
0xa7: {  	s6 =	sshll.u32 s26, $0x1;
	_ =	strace $0x80000049;
	[dreg:$0x1] =	wrdreg $0xFFFFFFFF  }
0xa8: {  	s28 =	simm.s32 $_size_execute0_lowered;
	s4 =	sadd.s32 s4, s6;
	[dreg:$0x0] =	wrdreg $0x0  }
0xa9: {  	s6 =	sshll.u32 s28, $0x1;
	[dreg:$0x2] =	wrdreg s4  }
0xaa: {  	[dreg:$0x3] =	wrdreg s6  }
0xab: {  	[dreg:$0x4] =	wrdreg $0xC0  }
0xac: {  	_ =	task [dreg:s8], $0x5FFFF  }
0xad: {  	[dreg:$0x1] =	wrdreg $0xFFFFFFFF  }
0xae: {  	[dreg:$0x0] =	wrdreg $0x60  }
0xaf: {  	[dreg:$0x2] =	wrdreg s24  }
0xb0: {  	[dreg:$0x3] =	wrdreg s18  }
0xb1: {  	[dreg:$0x4] =	wrdreg s2  }
0xb2: {  	[dreg:$0x5] =	wrdreg $0x9  }
0xb3: {  	_ =	task.clear_ibuf [dreg:s8], $0x6FFFF;
	_ =	strace $0x90000049  }
0xb4: {  	s29 =	simm.s32 $0x9;
	_ =	strace $0x8000004B  }
0xb5: {  	_ =	swait.ge [sflag:s29], $0x1  }
0xb6: {  	[sflag:s29] =	ssyncadd.s32 $0xFFFFFFFF  }
0xb7: {  	_ =	strace $0x9000004B  }
0xb8: {  	_ =	sfence  }
0xb9: {  	s30 =	sld [smem:$0x0];
	_ =	sdelay $0x2  }
0xba: {  	s31 =	sshll.u32 s1, $0xD;
	s1 =	sshrl.u32 s1, $0x2  }
0xbb: {  	s3 =	sand.u32 $0x4000, s31;
	s1 =	sadd.s32 s1, s30  }
0xbc: {  	s0 =	sor.u32 s3, s0;
	s1 =	sshll.u32 s1, $0x11  }
0xbd: {  	s0 =	sor.u32 s1, s0  }
0xbe: {  	s0 =	sadd.s32 $0x8F2B, s0  }
0xbf: {  	[sflag:s0] =	ssyncadd.remote.s32 $0x1  }
0xc0: {  	_ =	sfence.sel $0xFFFF  }
0xc1: {  	[dreg:$0x0] =	wrdreg $0xFFFFFFFF;
	(pc) =	sbr.abs _section_cstart, $3  }
0xc2: {  	[dreg:$0x1] =	wrdreg $0xFFFFFFFF  }
0xc3: {  	_ =	task.clear_ibuf [dreg:s8], $0x2FFFF;
	_ =	strace $0x9FFFFFFF  }
0xc4: {  	(tm) =	ssettm $0x7FFFFFFF  }
0xc5: {  	_ =	shalt  }
tec
execute0_lowered:
.L_overlay_start_1:
0x0: {  	(tag) =	ssettag $0x1  }
0x1: {  	s0 =	rddreg [dreg:$0x0]  }
0x2: {  	s2 =	rddreg [dreg:$0x1]  }
0x3: {  	s3 =	rddreg [dreg:$0x2];
	s10 =	stileid.u32;
	s4 =	simm.s32 $0x0  }
0x4: {  	s9 =	srdreg.scid;
	s16 =	simm.s32 $0x100;
	s17 =	simm.s32 $0x1  }
0x5: {  	s18 =	simm.s32 $0x2;
	s19 =	simm.s32 $0x3;
	s1 =	smul.u32 $0x1260, s10  }
0x6: {  	s20 =	simm.s32 $0x180;
	s21 =	simm.s32 $0x4980;
	s7 =	smul.u32 $0xA5600, s10  }
0x7: {  	s22 =	simm.s32 $0x6980;
	s23 =	simm.s32 $0x7180;
	s8 =	smul.u32 $0x49800, s10  }
0x8: {  	s24 =	simm.s32 $0x4;
	s10 =	smul.u32 $0x12600, s10;
	s9 =	sand.u32 $0x1, s9  }
0x9: {  	s25 =	simm.s32 $0x0;
	s5 =	sadd.s32 $0x10F200, s0;
	s12 =	smul.u32 $0x52B00, s9  }
0xa: {  	[smem:$0x7FF] =	sst s4;
	s6 =	sadd.s32 $0x2198400, s0;
	s13 =	smul.u32 $0x9300, s9  }
0xb: {  	_ =	strace $0x8000004A;
	s11 =	ssub.s32 $0x2, s9;
	s29 =	smul.u32 $0x930, s9  }
0xc: {  	s15 =	smul.u32 $0x24C00, s9;
	s1 =	sadd.s32 s1, s0;
	s7 =	sadd.s32 s7, s0  }
0xd: {  	s14 =	sadd.s32 s8, s0;
	s26 =	sshrl.u32 s11, $0x1;
	s0 =	sadd.s32 s10, s0  }
0xe: {  	s8 =	ssub.s32 s11, s26;
	s28 =	sadd.s32 s12, s7;
	s0 =	sadd.s32 s13, s0  }
0xf: {  	s1 =	sadd.s32 s29, s1;
	s31 =	sadd.s32 s15, s14;
	s15 =	simm.s32 $0x80  }
0x10: {  	s30 =	smax.u32 s8, $0x1;
	s8 =	sadd.s32 $0x4DFE00, s28;
	s9 =	sadd.s32 $0x1EAE00, s0  }
0x11: {  	s10 =	sadd.s32 $0x6600, s1;
	s11 =	sadd.s32 $0xFCC00, s1;
	s12 =	sadd.s32 $0xD8000, s1  }
0x12: {  	s13 =	sadd.s32 $0xEA600, s1;
	s14 =	sadd.s32 $0xF35E00, s31;
	[dreg:$0x4] =	wrdreg s30  }
.LBB2_1:
0x13: {  	s0 =	sadd.s32 $0x0, s13  }
0x14: {  	[tilespmem:s4], [sflag:$0x1] =	stream.linear.gather [hbm4b:s0+s4], $0x80, $0x38;
	[tilespmem:$0x7200] =	vst v63  }
0x15: {  	s1 =	sadd.s32 $0x0, s12  }
0x16: {  	[tilespmem:s15], [sflag:$0x2] =	stream.linear.gather [hbm4b:s1+s4], $0x80, $0x38;
	[tilespmem:$0x7200] =	vst v63  }
0x17: {  	s7 =	sadd.s32 $0x0, s11  }
0x18: {  	[tilespmem:s16], [sflag:$0x3] =	stream.linear.gather [hbm4b:s7+s4], $0x80, $0x38;
	[tilespmem:$0x7200] =	vst v63  }
0x19: {  	_ =	swait.ge [sflag:s17], $0x80  }
0x1a: {  	[sflag:s17] =	ssyncset.done $0x0  }
0x1b: {  	[sflag:s17] =	ssyncadd.s32 $0xFFFFFF80  }
0x1c: {  	_ =	swait.ge [sflag:s18], $0x80  }
0x1d: {  	[sflag:s18] =	ssyncset.done $0x0  }
0x1e: {  	[sflag:s18] =	ssyncadd.s32 $0xFFFFFF80  }
0x1f: {  	_ =	swait.ge [sflag:s19], $0x80  }
0x20: {  	[sflag:s19] =	ssyncset.done $0x0  }
0x21: {  	[sflag:s19] =	ssyncadd.s32 $0xFFFFFF80  }
0x22: {  	[tilespmem:s20], [sflag:$0x1] =	stream.indirect.gather [hbm4b:s5+s15], $0x90, s4, s15, $0xb8;
	[tilespmem:$0x7200] =	vst v63  }
0x23: {  	_ = 	snop  }
0x24: {  	[tilespmem:s21], [sflag:$0x2] =	stream.indirect.gather [hbm4b:s2+s15], $0x40, s15, s15, $0xb8;
	[tilespmem:$0x7200] =	vst v63  }
0x25: {  	_ = 	snop  }
0x26: {  	[tilespmem:s22], [sflag:$0x3] =	stream.indirect.gather [hbm4b:s6+s15], $0x10, s16, s15, $0xb8;
	[tilespmem:$0x7200] =	vst v63  }
0x27: {  	_ = 	snop  }
0x28: {  	[tilespmem:s23], [sflag:$0x4] =	stream.indirect.gather [hbm4b:s3+s15], $0x1, s16, s15, $0xb8;
	[tilespmem:$0x7200] =	vst v63  }
0x29: {  	_ =	swait.ge [sflag:s17], $0x4800  }
0x2a: {  	[sflag:s17] =	ssyncset.done $0x0  }
0x2b: {  	[sflag:s17] =	ssyncadd.s32 $0xFFFFB800  }
0x2c: {  	_ =	swait.ge [sflag:s18], $0x2000  }
0x2d: {  	[sflag:s18] =	ssyncset.done $0x0  }
0x2e: {  	[sflag:s18] =	ssyncadd.s32 $0xFFFFE000  }
0x2f: {  	_ =	swait.ge [sflag:s19], $0x800  }
0x30: {  	[sflag:s19] =	ssyncset.done $0x0  }
0x31: {  	[sflag:s19] =	ssyncadd.s32 $0xFFFFF800  }
0x32: {  	_ =	swait.ge [sflag:s24], $0x80  }
0x33: {  	[sflag:s24] =	ssyncset.done $0x0  }
0x34: {  	[sflag:s24] =	ssyncadd.s32 $0xFFFFFF80  }
0x35: {  	[hbm4b:s8+s4] =	stream.linear.scatter [tilespmem:s20], [sflag:$0x1], $0x4800, $0x38;
	[tilespmem:$0x7200] =	vst v63  }
0x36: {  	_ = 	snop  }
0x37: {  	[hbm4b:s14+s4] =	stream.linear.scatter [tilespmem:s21], [sflag:$0x2], $0x2000, $0x38;
	[tilespmem:$0x7200] =	vst v63  }
0x38: {  	_ = 	snop  }
0x39: {  	[hbm4b:s9+s4] =	stream.linear.scatter [tilespmem:s22], [sflag:$0x3], $0x800, $0x38;
	[tilespmem:$0x7200] =	vst v63  }
0x3a: {  	s26 =	sadd.s32 $0x0, s10  }
0x3b: {  	[hbm4b:s26+s4] =	stream.linear.scatter [tilespmem:s23], [sflag:$0x4], $0x80, $0x38;
	[tilespmem:$0x7200] =	vst v63  }
0x3c: {  	_ =	swait.ge [sflag:s17], $0x4800  }
0x3d: {  	[sflag:s17] =	ssyncset.done $0x0  }
0x3e: {  	[sflag:s17] =	ssyncadd.s32 $0xFFFFB800  }
0x3f: {  	_ =	swait.ge [sflag:s18], $0x2000  }
0x40: {  	[sflag:s18] =	ssyncset.done $0x0  }
0x41: {  	[sflag:s18] =	ssyncadd.s32 $0xFFFFE000  }
0x42: {  	_ =	swait.ge [sflag:s19], $0x800  }
0x43: {  	[sflag:s19] =	ssyncset.done $0x0  }
0x44: {  	s31 =	simm.s32 $0x20;
	[sflag:s19] =	ssyncadd.s32 $0xFFFFF800  }
0x45: {  	s28 =	sadd.s32 $0x400, s14;
	s30 =	sadd.s32 $0x900, s8;
	_ =	swait.ge [sflag:s24], $0x80  }
0x46: {  	s29 =	sadd.s32 $0x100, s9;
	s26 =	simm.s32 $0x10;
	[sflag:s24] =	ssyncset.done $0x0  }
.LBB2_2:
0x47: {  	s7 =	sadd.s32 s26, s13  }
0x48: {  	[sflag:s24] =	ssyncadd.s32 $0xFFFFFF80;
	s0 =	smov.u32 s31;
	s1 =	sadd.s32 $0x10, s31  }
0x49: {  	[tilespmem:s4], [sflag:$0x1] =	stream.linear.gather [hbm4b:s7+s4], $0x80, $0x38;
	[tilespmem:$0x7200] =	vst v63  }
0x4a: {  	p0 =	sne.s32 s31, $0x920;
	s7 =	sadd.s32 s26, s12  }
0x4b: {  	[tilespmem:s15], [sflag:$0x2] =	stream.linear.gather [hbm4b:s7+s4], $0x80, $0x38;
	[tilespmem:$0x7200] =	vst v63  }
0x4c: {  	s7 =	sadd.s32 s26, s11  }
0x4d: {  	[tilespmem:s16], [sflag:$0x3] =	stream.linear.gather [hbm4b:s7+s4], $0x80, $0x38;
	[tilespmem:$0x7200] =	vst v63  }
0x4e: {  	_ =	swait.ge [sflag:s17], $0x80  }
0x4f: {  	[sflag:s17] =	ssyncset.done $0x0  }
0x50: {  	[sflag:s17] =	ssyncadd.s32 $0xFFFFFF80  }
0x51: {  	_ =	swait.ge [sflag:s18], $0x80  }
0x52: {  	[sflag:s18] =	ssyncset.done $0x0  }
0x53: {  	[sflag:s18] =	ssyncadd.s32 $0xFFFFFF80  }
0x54: {  	_ =	swait.ge [sflag:s19], $0x80  }
0x55: {  	[sflag:s19] =	ssyncset.done $0x0  }
0x56: {  	[sflag:s19] =	ssyncadd.s32 $0xFFFFFF80  }
0x57: {  	[tilespmem:s20], [sflag:$0x1] =	stream.indirect.gather [hbm4b:s5+s15], $0x90, s4, s15, $0xb8;
	[tilespmem:$0x7200] =	vst v63  }
0x58: {  	_ = 	snop  }
0x59: {  	[tilespmem:s21], [sflag:$0x2] =	stream.indirect.gather [hbm4b:s2+s15], $0x40, s15, s15, $0xb8;
	[tilespmem:$0x7200] =	vst v63  }
0x5a: {  	_ = 	snop  }
0x5b: {  	[tilespmem:s22], [sflag:$0x3] =	stream.indirect.gather [hbm4b:s6+s15], $0x10, s16, s15, $0xb8;
	[tilespmem:$0x7200] =	vst v63  }
0x5c: {  	_ = 	snop  }
0x5d: {  	[tilespmem:s23], [sflag:$0x4] =	stream.indirect.gather [hbm4b:s3+s15], $0x1, s16, s15, $0xb8;
	[tilespmem:$0x7200] =	vst v63  }
0x5e: {  	_ =	swait.ge [sflag:s17], $0x4800  }
0x5f: {  	[sflag:s17] =	ssyncset.done $0x0  }
0x60: {  	[sflag:s17] =	ssyncadd.s32 $0xFFFFB800  }
0x61: {  	_ =	swait.ge [sflag:s18], $0x2000  }
0x62: {  	[sflag:s18] =	ssyncset.done $0x0  }
0x63: {  	[sflag:s18] =	ssyncadd.s32 $0xFFFFE000  }
0x64: {  	_ =	swait.ge [sflag:s19], $0x800  }
0x65: {  	[sflag:s19] =	ssyncset.done $0x0  }
0x66: {  	[sflag:s19] =	ssyncadd.s32 $0xFFFFF800  }
0x67: {  	_ =	swait.ge [sflag:s24], $0x80  }
0x68: {  	[sflag:s24] =	ssyncset.done $0x0  }
0x69: {  	[sflag:s24] =	ssyncadd.s32 $0xFFFFFF80  }
0x6a: {  	[hbm4b:s30+s4] =	stream.linear.scatter [tilespmem:s20], [sflag:$0x1], $0x4800, $0x38;
	[tilespmem:$0x7200] =	vst v63  }
0x6b: {  	_ = 	snop  }
0x6c: {  	[hbm4b:s28+s4] =	stream.linear.scatter [tilespmem:s21], [sflag:$0x2], $0x2000, $0x38;
	[tilespmem:$0x7200] =	vst v63  }
0x6d: {  	_ = 	snop  }
0x6e: {  	[hbm4b:s29+s4] =	stream.linear.scatter [tilespmem:s22], [sflag:$0x3], $0x800, $0x38;
	[tilespmem:$0x7200] =	vst v63  }
0x6f: {  	s7 =	sadd.s32 s26, s10;
	s26 =	smov.u32 s0  }
0x70: {  	[hbm4b:s7+s4] =	stream.linear.scatter [tilespmem:s23], [sflag:$0x4], $0x80, $0x38;
	[tilespmem:$0x7200] =	vst v63  }
0x71: {  	_ =	swait.ge [sflag:s17], $0x4800  }
0x72: {  	[sflag:s17] =	ssyncset.done $0x0  }
0x73: {  	[sflag:s17] =	ssyncadd.s32 $0xFFFFB800  }
0x74: {  	_ =	swait.ge [sflag:s18], $0x2000  }
0x75: {  	[sflag:s18] =	ssyncset.done $0x0  }
0x76: {  	[sflag:s18] =	ssyncadd.s32 $0xFFFFE000  }
.Ltmp0:
0x77: {  	_ =	swait.ge [sflag:s19], $0x800;
	(pc) =	sbr.rel @p0 .LBB2_2-.Ltmp0, $4  }
0x78: {  	[sflag:s19] =	ssyncset.done $0x0  }
0x79: {  	[sflag:s19] =	ssyncadd.s32 $0xFFFFF800  }
0x7a: {  	s31 =	smov.u32 s1;
	s28 =	sadd.s32 $0x400, s28;
	_ =	swait.ge [sflag:s24], $0x80  }
0x7b: {  	s30 =	sadd.s32 $0x900, s30;
	s29 =	sadd.s32 $0x100, s29;
	[sflag:s24] =	ssyncset.done $0x0  }
0x7c: {  	s0 =	sadd.s32 s26, s13;
	[sflag:s24] =	ssyncadd.s32 $0xFFFFFF80  }
0x7d: {  	[tilespmem:s4], [sflag:$0x1] =	stream.linear.gather [hbm4b:s0+s4], $0x80, $0x38;
	[tilespmem:$0x7200] =	vst v63  }
0x7e: {  	s1 =	sadd.s32 s26, s12  }
0x7f: {  	[tilespmem:s15], [sflag:$0x2] =	stream.linear.gather [hbm4b:s1+s4], $0x80, $0x38;
	[tilespmem:$0x7200] =	vst v63  }
0x80: {  	s7 =	sadd.s32 s26, s11  }
0x81: {  	[tilespmem:s16], [sflag:$0x3] =	stream.linear.gather [hbm4b:s7+s4], $0x80, $0x38;
	[tilespmem:$0x7200] =	vst v63  }
0x82: {  	_ =	swait.ge [sflag:s17], $0x80  }
0x83: {  	[sflag:s17] =	ssyncset.done $0x0  }
0x84: {  	[sflag:s17] =	ssyncadd.s32 $0xFFFFFF80  }
0x85: {  	_ =	swait.ge [sflag:s18], $0x80  }
0x86: {  	[sflag:s18] =	ssyncset.done $0x0  }
0x87: {  	[sflag:s18] =	ssyncadd.s32 $0xFFFFFF80  }
0x88: {  	_ =	swait.ge [sflag:s19], $0x80  }
0x89: {  	[sflag:s19] =	ssyncset.done $0x0  }
0x8a: {  	[sflag:s19] =	ssyncadd.s32 $0xFFFFFF80  }
0x8b: {  	[tilespmem:s20], [sflag:$0x1] =	stream.indirect.gather [hbm4b:s5+s15], $0x90, s4, s15, $0xb8;
	[tilespmem:$0x7200] =	vst v63  }
0x8c: {  	_ = 	snop  }
0x8d: {  	[tilespmem:s21], [sflag:$0x2] =	stream.indirect.gather [hbm4b:s2+s15], $0x40, s15, s15, $0xb8;
	[tilespmem:$0x7200] =	vst v63  }
0x8e: {  	_ = 	snop  }
0x8f: {  	[tilespmem:s22], [sflag:$0x3] =	stream.indirect.gather [hbm4b:s6+s15], $0x10, s16, s15, $0xb8;
	[tilespmem:$0x7200] =	vst v63  }
0x90: {  	_ = 	snop  }
0x91: {  	[tilespmem:s23], [sflag:$0x4] =	stream.indirect.gather [hbm4b:s3+s15], $0x1, s16, s15, $0xb8;
	[tilespmem:$0x7200] =	vst v63  }
0x92: {  	_ =	swait.ge [sflag:s17], $0x4800  }
0x93: {  	[sflag:s17] =	ssyncset.done $0x0  }
0x94: {  	[sflag:s17] =	ssyncadd.s32 $0xFFFFB800  }
0x95: {  	_ =	swait.ge [sflag:s18], $0x2000  }
0x96: {  	[sflag:s18] =	ssyncset.done $0x0  }
0x97: {  	[sflag:s18] =	ssyncadd.s32 $0xFFFFE000  }
0x98: {  	_ =	swait.ge [sflag:s19], $0x800  }
0x99: {  	[sflag:s19] =	ssyncset.done $0x0  }
0x9a: {  	[sflag:s19] =	ssyncadd.s32 $0xFFFFF800  }
0x9b: {  	_ =	swait.ge [sflag:s24], $0x80  }
0x9c: {  	[sflag:s24] =	ssyncset.done $0x0  }
0x9d: {  	[sflag:s24] =	ssyncadd.s32 $0xFFFFFF80  }
0x9e: {  	[hbm4b:s30+s4] =	stream.linear.scatter [tilespmem:s20], [sflag:$0x1], $0x4800, $0x38;
	[tilespmem:$0x7200] =	vst v63  }
0x9f: {  	_ = 	snop  }
0xa0: {  	[hbm4b:s28+s4] =	stream.linear.scatter [tilespmem:s21], [sflag:$0x2], $0x2000, $0x38;
	[tilespmem:$0x7200] =	vst v63  }
0xa1: {  	_ = 	snop  }
0xa2: {  	[hbm4b:s29+s4] =	stream.linear.scatter [tilespmem:s22], [sflag:$0x3], $0x800, $0x38;
	[tilespmem:$0x7200] =	vst v63  }
0xa3: {  	s30 =	sadd.s32 s26, s10  }
0xa4: {  	[hbm4b:s30+s4] =	stream.linear.scatter [tilespmem:s23], [sflag:$0x4], $0x80, $0x38;
	[tilespmem:$0x7200] =	vst v63  }
0xa5: {  	_ =	swait.ge [sflag:s17], $0x4800  }
0xa6: {  	[sflag:s17] =	ssyncset.done $0x0  }
0xa7: {  	[sflag:s17] =	ssyncadd.s32 $0xFFFFB800  }
0xa8: {  	_ =	swait.ge [sflag:s18], $0x2000  }
0xa9: {  	[sflag:s18] =	ssyncset.done $0x0  }
0xaa: {  	[sflag:s18] =	ssyncadd.s32 $0xFFFFE000  }
0xab: {  	_ =	swait.ge [sflag:s19], $0x800  }
0xac: {  	[sflag:s19] =	ssyncset.done $0x0  }
0xad: {  	[sflag:s19] =	ssyncadd.s32 $0xFFFFF800  }
0xae: {  	_ =	swait.ge [sflag:s24], $0x80  }
0xaf: {  	s25 =	sadd.s32 $0x1, s25;
	s31 =	rddreg [dreg:$0x4]  }
0xb0: {  	p0 =	sne.s32 s25, s31  }
.Ltmp1:
0xb1: {  	_ = 	snop;
	(pc) =	sbr.rel @p0 .LBB2_1-.Ltmp1, $3  }
0xb2: {  	_ =	sdelay $0x1  }
0xb3: {  	[sflag:s24] =	ssyncset.done $0x0  }
0xb4: {  	[sflag:s24] =	ssyncadd.s32 $0xFFFFFF80  }
0xb5: {  	_ =	sfence.sel $0x180000  }
0xb6: {  	[bflag:$0x0] =	sbarrier.arrive $0xFFFF  }
0xb7: {  	_ =	strace $0x9000004A  }
0xb8: {  	s0 =	stileid.u32;
	[bflag:$0x2] =	sbarrier.arrive $0xFFFF  }
0xb9: {  	p0 =	sne.s32 s0, $0x0;
	s0 =	rddreg [dreg:$0x3]  }
0xba: {  	s0 =	sadd.s32 @!p0 $0x100000, s0  }
0xbb: {  	[sflag:s0] =	ssyncadd.tile.s32 @!p0 $0x1;
	_ =	shalt  }
.Lfunc_end2:
_tile_overlayer_lowered:
.L_overlay_start_2:
0xbc: {  	(tag) =	ssettag $0x2  }
0xbd: {  	s0 =	rddreg [dreg:$0x0];
	s2 =	stileid.u32  }
0xbe: {  	s1 =	rddreg [dreg:$0x1];
	p0 =	sne.s32 s2, $0x0  }
0xbf: {  	s3 =	rddreg [dreg:$0x2];
	[bflag:$0x3] =	sbarrier.arrive $0xFFFF;
	s2 =	simm.s32 @!p0 $0x1C05  }
0xc0: {  	[timem:s3], [sflag:s2] =	dma.local @!p0 [hbm:s0], s1  }
0xc1: {  	s0 =	simm.s32 @!p0 $0x5  }
0xc2: {  	_ =	swait.ge @!p0 [sflag:s0], s1  }
0xc3: {  	s1 =	ssub.s32 @!p0 $0x0, s1;
	[sflag:s0] =	ssyncset.done @!p0 $0x0  }
0xc4: {  	[sflag:s0] =	ssyncadd.s32 @!p0 s1  }
0xc5: {  	[bflag:$0x3] =	sbarrier.arrive $0xFFFF  }
0xc6: {  	_ =	shalt  }

// kernel: kernel.14.cloned.1.call-start
scs
__scs_entry_jumppad:
0x0: {  	(pc) =	sbr.rel $0x88, $3  }
0x1: {  	(tag) =	ssettag $0x0;
	lr =	simm.s32 $0x1  }
0x2: {  	[smem:$0x3F8E] =	sst lr;
	_ =	strace $0xD0000000  }
0x3: {  	_ = 	snop  }
0x4: {  	_ = 	snop  }
0x5: {  	_ = 	snop  }
0x6: {  	_ = 	snop  }
0x7: {  	_ = 	snop  }
__scs_overlays_trampoline_lowered:
0x8: {  	[smem:$0x3F9D] =	sst s0  }
0x9: {  	[smem:$0x3F9E] =	sst s1  }
0xa: {  	[smem:$0x3F9F] =	sst s2  }
0xb: {  	[smem:$0x3FA0] =	sst s3  }
0xc: {  	[smem:$0x3FA1] =	sst s4  }
0xd: {  	[smem:$0x3FA2] =	sst s5  }
0xe: {  	[smem:$0x3FA3] =	sst s6  }
0xf: {  	[smem:$0x3FA4] =	sst s7  }
0x10: {  	[smem:$0x3FA5] =	sst s8  }
0x11: {  	[smem:$0x3FA6] =	sst s9;
	s0 =	simm.s32 @!p0 $0x0  }
0x12: {  	s1 =	sld [smem:$0x3F8C];
	s0 =	simm.s32 @p0 $0x1  }
0x13: {  	[smem:$0x3FA7] =	sst s0;
	s0 =	simm.s32 @!p1 $0x0  }
0x14: {  	s2 =	sld [smem:$0x3F8B];
	s0 =	simm.s32 @p1 $0x1  }
0x15: {  	[smem:$0x3FA8] =	sst s0;
	s0 =	simm.s32 @!p2 $0x0  }
0x16: {  	s3 =	sld [smem:$0x3FDB];
	s0 =	simm.s32 @p2 $0x1  }
0x17: {  	s4 =	simm.s32 $0x1BF5;
	[smem:$0x3FAA] =	sst s0  }
0x18: {  	s0 =	sld [smem:$0x3F8D];
	_ =	swait.ge [sflag:s4], $0x0  }
0x19: {  	s7 =	sld [smem:$0x3F8E]  }
0x1a: {  	s8 =	sadd.s32 $0xFFFFE003, lr  }
0x1b: {  	s9 =	sadd.s32 $0xFFFFFEF7, lr;
	s5 =	simm.s32 $0xFFFFFFFF;
	p2 =	slt.u32 s8, $0xFFFFF086  }
0x1c: {  	p1 =	slt.u32 s9, $0xF7A;
	s5 =	simm.s32 @!p2 $0x0  }
0x1d: {  	s5 =	simm.s32 @p1 $0x1;
	p0 =	seq.s32 s7, s2  }
0x1e: {  	s7 =	smul.u32 @!p0 $0xF7A, s2;
	p2 =	seq.s32 @!p0 s5, $0x0  }
0x1f: {  	s9 =	smul.u32 $0xF7A, s1;
	s8 =	simm.s32 @!p0 $0x1BF5;
	p2 =	por !p2, p0  }
0x20: {  	[sflag:s8] =	ssyncset.s32 @!p0 $0xFFFFF086;
	s6 =	sadd.s32 @!p0 s3, s7;
	s7 =	simm.s32 @!p0 $0x108  }
0x21: {  	s3 =	sadd.s32 s3, s9;
	s6 =	sadd.s32 @!p0 $0x88, s6;
	s7 =	simm.s32 @p2 $0x1082  }
0x22: {  	[simem:s7], [sflag:s8] =	dma.local @!p0 [hbm:s6], $0xF7A  }
0x23: {  	s9 =	sor.u32 $0xD0000000, s2;
	s6 =	simm.s32 $0x108;
	_ =	swait.ge @!p0 [sflag:s8], $0x0  }
0x24: {  	s3 =	sadd.s32 $0x88, s3;
	s6 =	simm.s32 @!p1 $0x1082;
	[sflag:s4] =	ssyncset.s32 $0xFFFFF086  }
0x25: {  	[simem:s6], [sflag:s4] =	dma.local [hbm:s3], $0xF7A  }
0x26: {  	[smem:$0x3F8E] =	sst s1;
	(tag) =	ssettag s2;
	_ =	strace s9  }
0x27: {  	s1 =	sld [smem:$0x3F9E]  }
0x28: {  	s2 =	sld [smem:$0x3F9F]  }
0x29: {  	s4 =	sld [smem:$0x3FA1]  }
0x2a: {  	p0 =	seq.s32 s5, $0x0;
	s5 =	sld [smem:$0x3FA2]  }
0x2b: {  	s6 =	sld [smem:$0x3FA3]  }
0x2c: {  	s7 =	sld [smem:$0x3FA4]  }
0x2d: {  	s3 =	simm.s32 $0x108;
	s8 =	sld [smem:$0x3FA5]  }
0x2e: {  	s3 =	simm.s32 @!p0 $0x1082;
	s9 =	sld [smem:$0x3FA6]  }
0x2f: {  	lr =	sadd.s32 s0, s3;
	s0 =	sld [smem:$0x3F9D]  }
0x30: {  	s3 =	sld [smem:$0x3FA0]  }
0x31: {  	[smem:$0x3FA9] =	sst s10  }
0x32: {  	s10 =	sld [smem:$0x3FA7];
	_ =	sdelay $0x3  }
0x33: {  	p0 =	seq.s32 s10, $0x1;
	s10 =	sld [smem:$0x3FA9];
	_ =	sdelay $0x3  }
0x34: {  	[smem:$0x3FA9] =	sst s10  }
0x35: {  	s10 =	sld [smem:$0x3FA8];
	_ =	sdelay $0x3  }
0x36: {  	p1 =	seq.s32 s10, $0x1;
	s10 =	sld [smem:$0x3FA9];
	_ =	sdelay $0x3  }
0x37: {  	[smem:$0x3FA9] =	sst s10  }
0x38: {  	s10 =	sld [smem:$0x3FAA]  }
0x39: {  	_ = 	snop;
	(pc) =	sbr.ind lr, $3  }
0x3a: {  	_ = 	snop  }
0x3b: {  	_ = 	snop  }
0x3c: {  	p2 =	seq.s32 s10, $0x1;
	s10 =	sld [smem:$0x3FA9]  }
0x3d: {  	_ =	shalt  }
0x3e: {  	_ =	shalt  }
0x3f: {  	_ =	shalt  }
0x40: {  	_ =	shalt  }
0x41: {  	_ =	shalt  }
0x42: {  	_ =	shalt  }
0x43: {  	_ =	shalt  }
0x44: {  	_ =	shalt  }
0x45: {  	_ =	shalt  }
0x46: {  	_ =	shalt  }
0x47: {  	_ =	shalt  }
0x48: {  	_ =	shalt  }
0x49: {  	_ =	shalt  }
0x4a: {  	_ =	shalt  }
0x4b: {  	_ =	shalt  }
0x4c: {  	_ =	shalt  }
0x4d: {  	_ =	shalt  }
0x4e: {  	_ =	shalt  }
0x4f: {  	_ =	shalt  }
0x50: {  	_ =	shalt  }
0x51: {  	_ =	shalt  }
0x52: {  	_ =	shalt  }
0x53: {  	_ =	shalt  }
0x54: {  	_ =	shalt  }
0x55: {  	_ =	shalt  }
0x56: {  	_ =	shalt  }
0x57: {  	_ =	shalt  }
0x58: {  	_ =	shalt  }
0x59: {  	_ =	shalt  }
0x5a: {  	_ =	shalt  }
0x5b: {  	_ =	shalt  }
0x5c: {  	_ =	shalt  }
0x5d: {  	_ =	shalt  }
0x5e: {  	_ =	shalt  }
0x5f: {  	_ =	shalt  }
0x60: {  	_ =	shalt  }
0x61: {  	_ =	shalt  }
0x62: {  	_ =	shalt  }
0x63: {  	_ =	shalt  }
0x64: {  	_ =	shalt  }
0x65: {  	_ =	shalt  }
0x66: {  	_ =	shalt  }
0x67: {  	_ =	shalt  }
0x68: {  	_ =	shalt  }
0x69: {  	_ =	shalt  }
0x6a: {  	_ =	shalt  }
0x6b: {  	_ =	shalt  }
0x6c: {  	_ =	shalt  }
0x6d: {  	_ =	shalt  }
0x6e: {  	_ =	shalt  }
0x6f: {  	_ =	shalt  }
0x70: {  	_ =	shalt  }
0x71: {  	_ =	shalt  }
0x72: {  	_ =	shalt  }
0x73: {  	_ =	shalt  }
0x74: {  	_ =	shalt  }
0x75: {  	_ =	shalt  }
0x76: {  	_ =	shalt  }
0x77: {  	_ =	shalt  }
0x78: {  	_ =	shalt  }
0x79: {  	_ =	shalt  }
0x7a: {  	_ =	shalt  }
0x7b: {  	_ =	shalt  }
0x7c: {  	_ =	shalt  }
0x7d: {  	_ =	shalt  }
0x7e: {  	_ =	shalt  }
0x7f: {  	_ =	shalt  }
0x80: {  	_ =	shalt  }
0x81: {  	_ =	shalt  }
0x82: {  	_ =	shalt  }
0x83: {  	_ =	shalt  }
0x84: {  	_ =	shalt  }
0x85: {  	_ =	shalt  }
0x86: {  	_ =	shalt  }
0x87: {  	_ =	shalt  }
.Lfunc_end0:
.L_simem_size_0:
called_computation.2_lowered:
.L_overlay_start_0:
0x88: {  	s2 =	sld [smem:$0x3FD9]  }
0x89: {  	s3 =	sld [smem:$0x3FFE];
	_ =	sdelay $0x1  }
0x8a: {  	s1 =	srdreg.scid  }
0x8b: {  	s0 =	sand.u32 $0x1, s1  }
0x8c: {  	s17 =	sshll.u32 s0, $0xA;
	s2 =	sadd.s32 s3, s2  }
0x8d: {  	s2 =	sadd.s32 s2, s17  }
0x8e: {  	[smem:$0x3FB5] =	sst s2  }
0x8f: {  	_ = 	snop  }
0x90: {  	s2 =	sld [smem:$0x3FD0];
	(tm) =	ssettm $0x1  }
0x91: {  	s18 =	sld [smem:$0x3FFB];
	_ =	sdelay $0x3  }
0x92: {  	_ =	strace s18  }
0x93: {  	s3 =	sld [smem:$0x3FFC];
	_ =	sdelay $0x3  }
0x94: {  	_ =	strace s3  }
0x95: {  	s3 =	sld [smem:$0x3FFD];
	_ =	sdelay $0x3  }
0x96: {  	_ =	strace s3  }
0x97: {  	_ =	strace $0x8FFFFFFF  }
0x98: {  	s19 =	sld [smem:$0x3FDB];
	_ =	sdelay $0x1  }
0x99: {  	s4 =	simm.s32 $_scs_section_size  }
0x9a: {  	s5 =	simm.s32 $_size__tile_overlayer_lowered;
	s6 =	simm.s32 $_tile_overlayer_lowered  }
0x9b: {  	s22 =	simm.s32 $0x1BFF;
	s21 =	sshll.u32 s6, $0x1;
	s3 =	sadd.s32 s4, s19  }
0x9c: {  	s7 =	simm.s32 $0x0;
	s20 =	sshll.u32 s5, $0x1;
	s5 =	sadd.s32 s21, s3  }
0x9d: {  	[timem:s7], [sflag:s22] =	dma.local [hbm:s5], s20  }
0x9e: {  	_ =	swait.ge [sflag:s22], s20  }
0x9f: {  	s4 =	ssub.s32 $0x0, s20;
	[sflag:s22] =	ssyncset.done $0x0  }
0xa0: {  	[sflag:s22] =	ssyncadd.s32 s4;
	_ =	sdelay $0x1  }
0xa1: {  	s23 =	simm.s32 $0x1B8B  }
0xa2: {  	_ =	swait.ge [sflag:s23], $0x1  }
0xa3: {  	[sflag:s23] =	ssyncset.done $0x0  }
0xa4: {  	s25 =	simm.s32 $0x1B8E;
	s24 =	sld [smem:$0x3FFE];
	[sflag:s23] =	ssyncadd.s32 $0xFFFFFFFF  }
0xa5: {  	s26 =	simm.s32 $execute0_lowered;
	[smem:$0x3FD2] =	sst s25  }
0xa6: {  	s5 =	sshll.u32 s26, $0x1;
	_ =	strace $0x8000004C;
	[dreg:$0x1] =	wrdreg $0xFFFFFFFF  }
0xa7: {  	s28 =	simm.s32 $_size_execute0_lowered;
	s3 =	sadd.s32 s3, s5;
	[dreg:$0x0] =	wrdreg $0x0  }
0xa8: {  	s5 =	sshll.u32 s28, $0x1;
	[dreg:$0x2] =	wrdreg s3  }
0xa9: {  	[dreg:$0x3] =	wrdreg s5  }
0xaa: {  	[dreg:$0x4] =	wrdreg $0xC0  }
0xab: {  	_ =	task [dreg:s7], $0x5FFFF  }
0xac: {  	[dreg:$0x1] =	wrdreg $0xFFFFFFFF  }
0xad: {  	[dreg:$0x0] =	wrdreg $0x60  }
0xae: {  	[dreg:$0x2] =	wrdreg s24  }
0xaf: {  	[dreg:$0x3] =	wrdreg s2  }
0xb0: {  	[dreg:$0x4] =	wrdreg $0x25000  }
0xb1: {  	[dreg:$0x5] =	wrdreg $0x1ABC00  }
0xb2: {  	[dreg:$0x6] =	wrdreg $0x9  }
0xb3: {  	_ =	task.clear_ibuf [dreg:s7], $0x7FFFF;
	_ =	strace $0x9000004C  }
0xb4: {  	s29 =	simm.s32 $0x9;
	_ =	strace $0x8000004E  }
0xb5: {  	_ =	swait.ge [sflag:s29], $0x1  }
0xb6: {  	[sflag:s29] =	ssyncadd.s32 $0xFFFFFFFF  }
0xb7: {  	_ =	strace $0x9000004E  }
0xb8: {  	_ =	sfence  }
0xb9: {  	s30 =	sld [smem:$0x0];
	_ =	sdelay $0x2  }
0xba: {  	s31 =	sshll.u32 s1, $0xD;
	s1 =	sshrl.u32 s1, $0x2  }
0xbb: {  	s3 =	sand.u32 $0x4000, s31;
	s1 =	sadd.s32 s1, s30  }
0xbc: {  	s0 =	sor.u32 s3, s0;
	s1 =	sshll.u32 s1, $0x11  }
0xbd: {  	s0 =	sor.u32 s1, s0  }
0xbe: {  	s0 =	sadd.s32 $0x8F2B, s0  }
0xbf: {  	[sflag:s0] =	ssyncadd.remote.s32 $0x1  }
0xc0: {  	_ =	sfence.sel $0xFFFF  }
0xc1: {  	[dreg:$0x0] =	wrdreg $0xFFFFFFFF;
	(pc) =	sbr.abs _section_cstart, $3  }
0xc2: {  	[dreg:$0x1] =	wrdreg $0xFFFFFFFF  }
0xc3: {  	_ =	task.clear_ibuf [dreg:s7], $0x2FFFF;
	_ =	strace $0x9FFFFFFF  }
0xc4: {  	(tm) =	ssettm $0x7FFFFFFF  }
0xc5: {  	_ =	shalt  }
tec
execute0_lowered:
.L_overlay_start_1:
0x0: {  	(tag) =	ssettag $0x1  }
0x1: {  	s7 =	rddreg [dreg:$0x0]  }
0x2: {  	s8 =	rddreg [dreg:$0x1]  }
0x3: {  	s1 =	rddreg [dreg:$0x2]  }
0x4: {  	s2 =	rddreg [dreg:$0x3]  }
0x5: {  	s11 =	stileid.u32;
	s3 =	simm.s32 $0x0;
	s9 =	srdreg.scid  }
0x6: {  	s17 =	simm.s32 $0x1;
	s18 =	simm.s32 $0x2;
	s5 =	smul.u32 $0x1260, s11  }
0x7: {  	s19 =	simm.s32 $0x80;
	s22 =	simm.s32 $0x0;
	s6 =	smul.u32 $0x49800, s11  }
0x8: {  	[smem:$0x7FF] =	sst s3;
	s4 =	smul.u32 $0x9300, s11;
	s31 =	sand.u32 $0x1, s9  }
0x9: {  	s0 =	sadd.s32 $0x99600, s7;
	p0 =	sne.s32 s11, $0x0;
	_ =	strace $0x8000004D  }
0xa: {  	s20 =	smul.u32 $0x61A8, s31;
	s9 =	ssub.s32 $0x2, s31;
	[dreg:$0x5] =	wrdreg s0  }
0xb: {  	s15 =	smul.u32 $0x30D40, s31;
	s12 =	sadd.s32 s5, s7;
	s10 =	sadd.s32 s6, s7  }
0xc: {  	s13 =	sadd.s32 s4, s7;
	s14 =	sshrl.u32 s9, $0x1;
	s6 =	sadd.s32 $0xCA400, s7  }
0xd: {  	s16 =	sadd.s32 s20, s7;
	s9 =	ssub.s32 s9, s14;
	s21 =	sadd.s32 $0x61A8, s20  }
0xe: {  	s7 =	sadd.s32 s8, s15;
	s10 =	sadd.s32 $0x4DFE00, s10;
	s11 =	sadd.s32 $0xD8000, s12  }
0xf: {  	s12 =	sadd.s32 $0x6600, s13;
	s13 =	sshrl.u32 @!p0 s1, $0x3;
	s14 =	sshrl.u32 @!p0 s2, $0x3  }
0x10: {  	s15 =	simm.s32 $0x100;
	v0 =	vmov s20;
	s20 =	simm.s32 $0x4;
	s8 =	sadd.s32 $0xEA600, s16  }
0x11: {  	vm0 =	vmxor vm0, vm0;
	s9 =	smax.u32 s9, $0x1;
	s16 =	simm.s32 $0x2100;
	v1 =	vmov s21;
	s21 =	simm.s32 $0x3  }
.LBB2_1:
0x12: {  	s23 =	simm.s32 @!p0 $0x1C04;
	s0 =	rddreg [dreg:$0x5];
	s24 =	simm.s32 @!p0 $0x4  }
0x13: {  	[spmem:s13], [sflag:s23] =	dma.local @!p0 [hbm:s0], $0x30D80  }
0x14: {  	_ =	swait.ge @!p0 [sflag:s24], $0x30D80  }
0x15: {  	[sflag:s24] =	ssyncset.done @!p0 $0x0  }
0x16: {  	[sflag:s24] =	ssyncadd.s32 @!p0 $0xFFFCF280  }
0x17: {  	[spmem:s14], [sflag:s23] =	dma.local @!p0 [hbm:s6], $0x61B0  }
0x18: {  	_ =	swait.ge @!p0 [sflag:s24], $0x61B0  }
0x19: {  	[sflag:s24] =	ssyncset.done @!p0 $0x0  }
0x1a: {  	[sflag:s24] =	ssyncadd.s32 @!p0 $0xFFFF9E50  }
0x1b: {  	[bflag:$0x0] =	sbarrier.arrive $0xFFFF  }
0x1c: {  	[tilespmem:s3], [sflag:$0x1] =	stream.linear.gather [hbm4b:s11+s3], $0x80, $0x38;
	[tilespmem:$0x1DC98] =	vst v63  }
0x1d: {  	_ = 	snop  }
0x1e: {  	[tilespmem:s15], [sflag:$0x2] =	stream.linear.gather [hbm4b:s10+s3], $0x2000, $0x38;
	[tilespmem:$0x1DC98] =	vst v63  }
0x1f: {  	s0 =	sadd.s32 $0x0, s12  }
0x20: {  	[tilespmem:s16], [sflag:$0x3] =	stream.linear.gather [hbm4b:s0+s3], $0x400, $0x38;
	[tilespmem:$0x1DC98] =	vst v63  }
0x21: {  	_ =	swait.ge [sflag:s17], $0x80  }
0x22: {  	s5 =	sadd.s32 $0x0, s4;
	[sflag:s17] =	ssyncset.done $0x0  }
0x23: {  	p2 =	slt.u32 s5, $0x927C0;
	s30 =	sadd.s32 $0x10, s5;
	[sflag:s17] =	ssyncadd.s32 $0xFFFFFF80  }
0x24: {  	vm1 =	vmmov vm0;
	vm7 =	vmmov vm0;
	vm2 =	vmmov vm0;
	s25 =	sadd.s32 $0x60, s5;
	s26 =	sadd.s32 $0x50, s5;
	s31 =	sadd.s32 $0x20, s5;
	v2 =	vld [tilespmem:$0x30]  }
0x25: {  	vm9 =	vmmov vm0;
	vm6 =	vmmov vm0;
	vm4 =	vmmov vm0;
	s28 =	sadd.s32 $0x30, s5;
	s29 =	sadd.s32 $0x40, s5;
	p1 =	slt.u32 s30, $0x927C0;
	v8 =	vld [tilespmem:$0x10]  }
0x26: {  	vm8 =	vmmov vm0;
	vm1 =	vmneg @p2 vm1;
	p2 =	slt.u32 s26, $0x927C0;
	p3 =	slt.u32 s31, $0x927C0;
	vm7 =	vmneg @p1 vm7;
	p1 =	slt.u32 s29, $0x927C0;
	v7 =	vld [tilespmem:$0x20]  }
0x27: {  	vm5 =	vmmov vm0;
	vm2 =	vmneg @p2 vm2;
	p2 =	slt.u32 s25, $0x927C0;
	vm6 =	vmneg @p1 vm6;
	p1 =	slt.u32 s28, $0x927C0;
	s23 =	sadd.s32 $0x70, s5;
	v5 =	vld [tilespmem:$0x0]  }
0x28: {  	vm9 =	vmneg @p3 vm9;
	vm4 =	vmneg @p2 vm4;
	vm5 =	vmneg @p1 vm5;
	p3 =	slt.u32 s23, $0x927C0;
	v6 =	vld [tilespmem:$0x40]  }
0x29: {  	vm8 =	vmneg @p3 vm8;
	v3 =	vld [tilespmem:$0x50];
	vm11 =	vge.s32 v2, v0;
	vm3 =	vlt.s32 v2, v1  }
0x2a: {  	s25 =	smov.u32 s11;
	s23 =	simm.s32 $0x80;
	s24 =	smov.u32 s10;
	v4 =	vld [tilespmem:$0x60];
	vm10 =	vge.s32 v8, v0;
	v9 =	vsub.s32 v8, v0;
	vm5 =	vmand vm5, vm11  }
.LBB2_2:
0x2b: {  	p1 =	sne.s32 s23, $0x9280;
	vm11 =	vlt.s32 v8, v1;
	vm12 =	vge.s32 v7, v0;
	v8 =	vsub.s32 v7, v0;
	v10 =	vld [tilespmem:$0x70];
	s24 =	sadd.s32 $0x400, s24;
	s25 =	sadd.s32 $0x10, s25  }
0x2c: {  	vm7 =	vmand vm7, vm10;
	vm10 =	vlt.s32 v7, v1;
	s26 =	smov.u32 s23;
	s23 =	sadd.s32 $0x80, s23;
	vm9 =	vmand vm9, vm12  }
0x2d: {  	v7 =	vsub.s32 v5, v0;
	vm7 =	vmand vm11, vm7;
	vm9 =	vmand vm10, vm9  }
0x2e: {  	v9 =	vnsel vm7, $0x61A8, v9;
	v11 =	vsub.s32 v6, v0;
	v8 =	vnsel vm9, $0x61A8, v8  }
0x2f: {  	vm7 =	vge.s32 v5, v0;
	vm10 =	vlt.s32 v6, v1;
	vm9 =	vge.s32 v6, v0;
	[tilespmem:$0xA0] =	vst v8  }
0x30: {  	vm11 =	vlt.s32 v5, v1;
	vm6 =	vmand vm6, vm9;
	vm9 =	vge.s32 v3, v0  }
0x31: {  	vm6 =	vmand vm10, vm6;
	vm10 =	vge.s32 v10, v0;
	vm12 =	vlt.s32 v10, v1  }
0x32: {  	v6 =	vsub.s32 v3, v0;
	v5 =	vnsel vm6, $0x61A8, v11;
	vm6 =	vmand vm8, vm10  }
0x33: {  	vm2 =	vmand vm2, vm9;
	vm6 =	vmand vm12, vm6;
	[tilespmem:$0xC0] =	vst v5;
	v5 =	vsub.s32 v10, v0  }
0x34: {  	vm9 =	vge.s32 v4, v0;
	vm8 =	vlt.s32 v3, v1;
	[tilespmem:$0x90] =	vst v9;
	v3 =	vnsel vm6, $0x61A8, v5  }
0x35: {  	vm1 =	vmand vm1, vm7;
	vm4 =	vmand vm4, vm9;
	vm6 =	vlt.s32 v4, v1;
	[tilespmem:$0xF0] =	vst v3  }
0x36: {  	vm1 =	vmand vm11, vm1;
	vm4 =	vmand vm6, vm4;
	v3 =	vsub.s32 v4, v0  }
0x37: {  	v4 =	vnsel vm1, $0x61A8, v7;
	vm1 =	vmand vm8, vm2;
	v3 =	vnsel vm4, $0x61A8, v3  }
0x38: {  	v2 =	vsub.s32 v2, v0;
	vm2 =	vmand vm3, vm5;
	v5 =	vnsel vm1, $0x61A8, v6;
	[tilespmem:$0xE0] =	vst v3  }
0x39: {  	v2 =	vnsel vm2, $0x61A8, v2;
	[tilespmem:$0x80] =	vst v4  }
0x3a: {  	[tilespmem:$0xB0] =	vst v2  }
0x3b: {  	[tilespmem:$0xD0] =	vst v5  }
0x3c: {  	_ =	swait.ge [sflag:s18], $0x2000  }
0x3d: {  	[sflag:s18] =	ssyncset.done $0x0  }
0x3e: {  	[sflag:s18] =	ssyncadd.s32 $0xFFFFE000  }
0x3f: {  	[spmem:s1] =	stream.indirect.scatter.add.f32 [tilespmem:s15], [sflag:$0x4], $0x40, s19, s19, $0xb8;
	[tilespmem:$0x1DC98] =	vst v63  }
0x40: {  	_ =	swait.ge [sflag:s20], $0x2000  }
0x41: {  	[sflag:s20] =	ssyncset.done $0x0  }
0x42: {  	[sflag:s20] =	ssyncadd.s32 $0xFFFFE000  }
0x43: {  	_ =	swait.ge [sflag:s21], $0x400  }
0x44: {  	[sflag:s21] =	ssyncset.done $0x0  }
0x45: {  	s28 =	sadd.s32 s26, s4;
	s26 =	sadd.s32 s26, s12;
	[sflag:s21] =	ssyncadd.s32 $0xFFFFFC00  }
0x46: {  	[spmem:s2] =	stream.indirect.scatter.add.f32 [tilespmem:s16], [sflag:$0x4], $0x8, s19, s19, $0xb8;
	[tilespmem:$0x1DC98] =	vst v63  }
0x47: {  	p2 =	slt.u32 s28, $0x927C0;
	s29 =	sadd.s32 $0x60, s28;
	_ =	swait.ge [sflag:s20], $0x400  }
0x48: {  	s30 =	sadd.s32 $0x10, s28;
	s31 =	sadd.s32 $0x50, s28;
	vm1 =	vmmov vm0;
	[sflag:s20] =	ssyncset.done $0x0  }
0x49: {  	vm1 =	vmneg @p2 vm1;
	p2 =	slt.u32 s30, $0x927C0;
	s30 =	sadd.s32 $0x20, s28;
	[sflag:s20] =	ssyncadd.s32 $0xFFFFFC00  }
0x4a: {  	vm7 =	vmmov vm0;
	[tilespmem:s3], [sflag:$0x1] =	stream.linear.gather [hbm4b:s25+s3], $0x80, $0x38;
	[tilespmem:$0x1DC98] =	vst v63  }
0x4b: {  	s0 =	sadd.s32 $0x30, s28;
	s5 =	sadd.s32 $0x40, s28;
	vm2 =	vmmov vm0;
	vm7 =	vmneg @p2 vm7;
	p2 =	slt.u32 s31, $0x927C0  }
0x4c: {  	vm2 =	vmneg @p2 vm2;
	[tilespmem:s15], [sflag:$0x2] =	stream.linear.gather [hbm4b:s24+s3], $0x2000, $0x38;
	[tilespmem:$0x1DC98] =	vst v63  }
0x4d: {  	p4 =	slt.u32 s5, $0x927C0;
	vm9 =	vmmov vm0;
	vm6 =	vmmov vm0;
	p3 =	slt.u32 s30, $0x927C0;
	p2 =	slt.u32 s0, $0x927C0  }
0x4e: {  	vm6 =	vmneg @p4 vm6;
	vm9 =	vmneg @p3 vm9;
	[tilespmem:s16], [sflag:$0x3] =	stream.linear.gather [hbm4b:s26+s3], $0x400, $0x38;
	[tilespmem:$0x1DC98] =	vst v63  }
0x4f: {  	p3 =	slt.u32 s29, $0x927C0;
	s0 =	sadd.s32 $0x70, s28;
	_ =	swait.ge [sflag:s17], $0x80  }
0x50: {  	p4 =	slt.u32 s0, $0x927C0;
	[sflag:s17] =	ssyncset.done $0x0  }
0x51: {  	[sflag:s17] =	ssyncadd.s32 $0xFFFFFF80  }
0x52: {  	v2 =	vld [tilespmem:$0x30]  }
0x53: {  	v8 =	vld [tilespmem:$0x10]  }
.Ltmp0:
0x54: {  	v7 =	vld [tilespmem:$0x20];
	(pc) =	sbr.rel @p1 .LBB2_2-.Ltmp0, $4  }
0x55: {  	vm8 =	vmmov vm0;
	vm4 =	vmmov vm0;
	v5 =	vld [tilespmem:$0x0]  }
0x56: {  	vm5 =	vmmov vm0;
	vm4 =	vmneg @p3 vm4;
	vm8 =	vmneg @p4 vm8;
	v6 =	vld [tilespmem:$0x40]  }
0x57: {  	vm5 =	vmneg @p2 vm5;
	vm11 =	vge.s32 v2, v0;
	vm3 =	vlt.s32 v2, v1;
	v3 =	vld [tilespmem:$0x50]  }
0x58: {  	vm10 =	vge.s32 v8, v0;
	v9 =	vsub.s32 v8, v0;
	vm5 =	vmand vm5, vm11;
	v4 =	vld [tilespmem:$0x60]  }
0x59: {  	vm11 =	vlt.s32 v8, v1;
	vm12 =	vge.s32 v7, v0;
	v57 =	vsub.s32 v7, v0  }
0x5a: {  	vm7 =	vmand vm7, vm10;
	vm13 =	vlt.s32 v7, v1;
	v2 =	vsub.s32 v2, v0  }
0x5b: {  	vm9 =	vmand vm9, vm12;
	v58 =	vsub.s32 v5, v0;
	vm7 =	vmand vm11, vm7  }
0x5c: {  	vm11 =	vlt.s32 v5, v1;
	vm9 =	vmand vm13, vm9;
	v9 =	vnsel vm7, $0x61A8, v9  }
0x5d: {  	v10 =	vld [tilespmem:$0x70];
	v11 =	vsub.s32 v6, v0;
	vm7 =	vge.s32 v5, v0;
	vm14 =	vge.s32 v6, v0  }
0x5e: {  	vm15 =	vlt.s32 v6, v1;
	v8 =	vnsel vm9, $0x61A8, v57;
	vm6 =	vmand vm6, vm14  }
0x5f: {  	vm9 =	vge.s32 v3, v0;
	vm1 =	vmand vm1, vm7;
	vm6 =	vmand vm15, vm6  }
0x60: {  	vm2 =	vmand vm2, vm9;
	vm13 =	vge.s32 v4, v0;
	vm14 =	vlt.s32 v4, v1  }
0x61: {  	[tilespmem:$0x90] =	vst v9;
	v62 =	vsub.s32 v4, v0;
	vm15 =	vlt.s32 v3, v1;
	vm1 =	vmand vm11, vm1  }
0x62: {  	[tilespmem:$0xA0] =	vst v8;
	v3 =	vsub.s32 v3, v0;
	vm10 =	vge.s32 v10, v0;
	v59 =	vnsel vm6, $0x61A8, v11  }
0x63: {  	vm12 =	vlt.s32 v10, v1;
	v63 =	vnsel vm1, $0x61A8, v58;
	vm1 =	vmand vm3, vm5;
	[tilespmem:$0xC0] =	vst v59  }
0x64: {  	vm4 =	vmand vm4, vm13;
	vm2 =	vmand vm15, vm2;
	[tilespmem:$0x80] =	vst v63;
	v2 =	vnsel vm1, $0x61A8, v2  }
0x65: {  	vm10 =	vmand vm8, vm10;
	vm4 =	vmand vm14, vm4;
	v3 =	vnsel vm2, $0x61A8, v3;
	[tilespmem:$0xB0] =	vst v2  }
0x66: {  	v60 =	vsub.s32 v10, v0;
	vm6 =	vmand vm12, vm10;
	v4 =	vnsel vm4, $0x61A8, v62;
	[tilespmem:$0xD0] =	vst v3  }
0x67: {  	v61 =	vnsel vm6, $0x61A8, v60;
	[tilespmem:$0xE0] =	vst v4  }
0x68: {  	[tilespmem:$0xF0] =	vst v61  }
0x69: {  	_ =	swait.ge [sflag:s18], $0x2000  }
0x6a: {  	[sflag:s18] =	ssyncset.done $0x0  }
0x6b: {  	[sflag:s18] =	ssyncadd.s32 $0xFFFFE000  }
0x6c: {  	[spmem:s1] =	stream.indirect.scatter.add.f32 [tilespmem:s15], [sflag:$0x4], $0x40, s19, s19, $0xb8;
	[tilespmem:$0x1DC98] =	vst v63  }
0x6d: {  	_ =	swait.ge [sflag:s20], $0x2000  }
0x6e: {  	[sflag:s20] =	ssyncset.done $0x0  }
0x6f: {  	[sflag:s20] =	ssyncadd.s32 $0xFFFFE000  }
0x70: {  	_ =	swait.ge [sflag:s21], $0x400  }
0x71: {  	[sflag:s21] =	ssyncset.done $0x0  }
0x72: {  	[sflag:s21] =	ssyncadd.s32 $0xFFFFFC00  }
0x73: {  	[spmem:s2] =	stream.indirect.scatter.add.f32 [tilespmem:s16], [sflag:$0x4], $0x8, s19, s19, $0xb8;
	[tilespmem:$0x1DC98] =	vst v63  }
0x74: {  	_ =	swait.ge [sflag:s20], $0x400  }
0x75: {  	[sflag:s20] =	ssyncset.done $0x0  }
0x76: {  	[sflag:s20] =	ssyncadd.s32 $0xFFFFFC00  }
0x77: {  	s0 =	simm.s32 @!p0 $0x1C04;
	s5 =	simm.s32 @!p0 $0x4;
	[bflag:$0x0] =	sbarrier.arrive $0xFFFF  }
0x78: {  	[hbm:s7], [sflag:s0] =	dma.local @!p0 [spmem:s13], $0x30D40  }
0x79: {  	s22 =	sadd.s32 $0x1, s22;
	_ =	swait.ge @!p0 [sflag:s5], $0x30D40  }
0x7a: {  	p1 =	sne.s32 s22, s9;
	[sflag:s5] =	ssyncset.done @!p0 $0x0  }
.Ltmp1:
0x7b: {  	[sflag:s5] =	ssyncadd.s32 @!p0 $0xFFFCF2C0;
	(pc) =	sbr.rel @p1 .LBB2_1-.Ltmp1, $4  }
0x7c: {  	[hbm:s8], [sflag:s0] =	dma.local @!p0 [spmem:s14], $0x61A8  }
0x7d: {  	_ =	swait.ge @!p0 [sflag:s5], $0x61A8  }
0x7e: {  	[sflag:s5] =	ssyncset.done @!p0 $0x0  }
0x7f: {  	[sflag:s5] =	ssyncadd.s32 @!p0 $0xFFFF9E58  }
0x80: {  	_ =	sfence.sel $0x180000  }
0x81: {  	[bflag:$0x0] =	sbarrier.arrive $0xFFFF  }
0x82: {  	_ =	strace $0x9000004D  }
0x83: {  	[bflag:$0x2] =	sbarrier.arrive $0xFFFF  }
0x84: {  	s0 =	rddreg [dreg:$0x4]  }
0x85: {  	s0 =	sadd.s32 @!p0 $0x100000, s0  }
0x86: {  	[sflag:s0] =	ssyncadd.tile.s32 @!p0 $0x1;
	_ =	shalt  }
.Lfunc_end2:
_tile_overlayer_lowered:
.L_overlay_start_2:
0x87: {  	(tag) =	ssettag $0x2  }
0x88: {  	s0 =	rddreg [dreg:$0x0];
	s2 =	stileid.u32  }
0x89: {  	s1 =	rddreg [dreg:$0x1];
	p0 =	sne.s32 s2, $0x0  }
0x8a: {  	s3 =	rddreg [dreg:$0x2];
	[bflag:$0x3] =	sbarrier.arrive $0xFFFF;
	s2 =	simm.s32 @!p0 $0x1C04  }
0x8b: {  	[timem:s3], [sflag:s2] =	dma.local @!p0 [hbm:s0], s1  }
0x8c: {  	s0 =	simm.s32 @!p0 $0x4  }
0x8d: {  	_ =	swait.ge @!p0 [sflag:s0], s1  }
0x8e: {  	s1 =	ssub.s32 @!p0 $0x0, s1;
	[sflag:s0] =	ssyncset.done @!p0 $0x0  }
0x8f: {  	[sflag:s0] =	ssyncadd.s32 @!p0 s1  }
0x90: {  	[bflag:$0x3] =	sbarrier.arrive $0xFFFF  }
0x91: {  	_ =	shalt  }

// kernel: kernel.8.cloned.1.call-start
scs
__scs_entry_jumppad:
0x0: {  	(pc) =	sbr.rel $0x88, $3  }
0x1: {  	(tag) =	ssettag $0x0;
	lr =	simm.s32 $0x1  }
0x2: {  	[smem:$0x3F8E] =	sst lr;
	_ =	strace $0xD0000000  }
0x3: {  	_ = 	snop  }
0x4: {  	_ = 	snop  }
0x5: {  	_ = 	snop  }
0x6: {  	_ = 	snop  }
0x7: {  	_ = 	snop  }
__scs_overlays_trampoline_lowered:
0x8: {  	[smem:$0x3F9D] =	sst s0  }
0x9: {  	[smem:$0x3F9E] =	sst s1  }
0xa: {  	[smem:$0x3F9F] =	sst s2  }
0xb: {  	[smem:$0x3FA0] =	sst s3  }
0xc: {  	[smem:$0x3FA1] =	sst s4  }
0xd: {  	[smem:$0x3FA2] =	sst s5  }
0xe: {  	[smem:$0x3FA3] =	sst s6  }
0xf: {  	[smem:$0x3FA4] =	sst s7  }
0x10: {  	[smem:$0x3FA5] =	sst s8  }
0x11: {  	[smem:$0x3FA6] =	sst s9;
	s0 =	simm.s32 @!p0 $0x0  }
0x12: {  	s1 =	sld [smem:$0x3F8C];
	s0 =	simm.s32 @p0 $0x1  }
0x13: {  	[smem:$0x3FA7] =	sst s0;
	s0 =	simm.s32 @!p1 $0x0  }
0x14: {  	s2 =	sld [smem:$0x3F8B];
	s0 =	simm.s32 @p1 $0x1  }
0x15: {  	[smem:$0x3FA8] =	sst s0;
	s0 =	simm.s32 @!p2 $0x0  }
0x16: {  	s3 =	sld [smem:$0x3FDB];
	s0 =	simm.s32 @p2 $0x1  }
0x17: {  	s4 =	simm.s32 $0x1BF5;
	[smem:$0x3FAA] =	sst s0  }
0x18: {  	s0 =	sld [smem:$0x3F8D];
	_ =	swait.ge [sflag:s4], $0x0  }
0x19: {  	s7 =	sld [smem:$0x3F8E]  }
0x1a: {  	s8 =	sadd.s32 $0xFFFFE003, lr  }
0x1b: {  	s9 =	sadd.s32 $0xFFFFFEF7, lr;
	s5 =	simm.s32 $0xFFFFFFFF;
	p2 =	slt.u32 s8, $0xFFFFF086  }
0x1c: {  	p1 =	slt.u32 s9, $0xF7A;
	s5 =	simm.s32 @!p2 $0x0  }
0x1d: {  	s5 =	simm.s32 @p1 $0x1;
	p0 =	seq.s32 s7, s2  }
0x1e: {  	s7 =	smul.u32 @!p0 $0xF7A, s2;
	p2 =	seq.s32 @!p0 s5, $0x0  }
0x1f: {  	s9 =	smul.u32 $0xF7A, s1;
	s8 =	simm.s32 @!p0 $0x1BF5;
	p2 =	por !p2, p0  }
0x20: {  	[sflag:s8] =	ssyncset.s32 @!p0 $0xFFFFF086;
	s6 =	sadd.s32 @!p0 s3, s7;
	s7 =	simm.s32 @!p0 $0x108  }
0x21: {  	s3 =	sadd.s32 s3, s9;
	s6 =	sadd.s32 @!p0 $0x88, s6;
	s7 =	simm.s32 @p2 $0x1082  }
0x22: {  	[simem:s7], [sflag:s8] =	dma.local @!p0 [hbm:s6], $0xF7A  }
0x23: {  	s9 =	sor.u32 $0xD0000000, s2;
	s6 =	simm.s32 $0x108;
	_ =	swait.ge @!p0 [sflag:s8], $0x0  }
0x24: {  	s3 =	sadd.s32 $0x88, s3;
	s6 =	simm.s32 @!p1 $0x1082;
	[sflag:s4] =	ssyncset.s32 $0xFFFFF086  }
0x25: {  	[simem:s6], [sflag:s4] =	dma.local [hbm:s3], $0xF7A  }
0x26: {  	[smem:$0x3F8E] =	sst s1;
	(tag) =	ssettag s2;
	_ =	strace s9  }
0x27: {  	s1 =	sld [smem:$0x3F9E]  }
0x28: {  	s2 =	sld [smem:$0x3F9F]  }
0x29: {  	s4 =	sld [smem:$0x3FA1]  }
0x2a: {  	p0 =	seq.s32 s5, $0x0;
	s5 =	sld [smem:$0x3FA2]  }
0x2b: {  	s6 =	sld [smem:$0x3FA3]  }
0x2c: {  	s7 =	sld [smem:$0x3FA4]  }
0x2d: {  	s3 =	simm.s32 $0x108;
	s8 =	sld [smem:$0x3FA5]  }
0x2e: {  	s3 =	simm.s32 @!p0 $0x1082;
	s9 =	sld [smem:$0x3FA6]  }
0x2f: {  	lr =	sadd.s32 s0, s3;
	s0 =	sld [smem:$0x3F9D]  }
0x30: {  	s3 =	sld [smem:$0x3FA0]  }
0x31: {  	[smem:$0x3FA9] =	sst s10  }
0x32: {  	s10 =	sld [smem:$0x3FA7];
	_ =	sdelay $0x3  }
0x33: {  	p0 =	seq.s32 s10, $0x1;
	s10 =	sld [smem:$0x3FA9];
	_ =	sdelay $0x3  }
0x34: {  	[smem:$0x3FA9] =	sst s10  }
0x35: {  	s10 =	sld [smem:$0x3FA8];
	_ =	sdelay $0x3  }
0x36: {  	p1 =	seq.s32 s10, $0x1;
	s10 =	sld [smem:$0x3FA9];
	_ =	sdelay $0x3  }
0x37: {  	[smem:$0x3FA9] =	sst s10  }
0x38: {  	s10 =	sld [smem:$0x3FAA]  }
0x39: {  	_ = 	snop;
	(pc) =	sbr.ind lr, $3  }
0x3a: {  	_ = 	snop  }
0x3b: {  	_ = 	snop  }
0x3c: {  	p2 =	seq.s32 s10, $0x1;
	s10 =	sld [smem:$0x3FA9]  }
0x3d: {  	_ =	shalt  }
0x3e: {  	_ =	shalt  }
0x3f: {  	_ =	shalt  }
0x40: {  	_ =	shalt  }
0x41: {  	_ =	shalt  }
0x42: {  	_ =	shalt  }
0x43: {  	_ =	shalt  }
0x44: {  	_ =	shalt  }
0x45: {  	_ =	shalt  }
0x46: {  	_ =	shalt  }
0x47: {  	_ =	shalt  }
0x48: {  	_ =	shalt  }
0x49: {  	_ =	shalt  }
0x4a: {  	_ =	shalt  }
0x4b: {  	_ =	shalt  }
0x4c: {  	_ =	shalt  }
0x4d: {  	_ =	shalt  }
0x4e: {  	_ =	shalt  }
0x4f: {  	_ =	shalt  }
0x50: {  	_ =	shalt  }
0x51: {  	_ =	shalt  }
0x52: {  	_ =	shalt  }
0x53: {  	_ =	shalt  }
0x54: {  	_ =	shalt  }
0x55: {  	_ =	shalt  }
0x56: {  	_ =	shalt  }
0x57: {  	_ =	shalt  }
0x58: {  	_ =	shalt  }
0x59: {  	_ =	shalt  }
0x5a: {  	_ =	shalt  }
0x5b: {  	_ =	shalt  }
0x5c: {  	_ =	shalt  }
0x5d: {  	_ =	shalt  }
0x5e: {  	_ =	shalt  }
0x5f: {  	_ =	shalt  }
0x60: {  	_ =	shalt  }
0x61: {  	_ =	shalt  }
0x62: {  	_ =	shalt  }
0x63: {  	_ =	shalt  }
0x64: {  	_ =	shalt  }
0x65: {  	_ =	shalt  }
0x66: {  	_ =	shalt  }
0x67: {  	_ =	shalt  }
0x68: {  	_ =	shalt  }
0x69: {  	_ =	shalt  }
0x6a: {  	_ =	shalt  }
0x6b: {  	_ =	shalt  }
0x6c: {  	_ =	shalt  }
0x6d: {  	_ =	shalt  }
0x6e: {  	_ =	shalt  }
0x6f: {  	_ =	shalt  }
0x70: {  	_ =	shalt  }
0x71: {  	_ =	shalt  }
0x72: {  	_ =	shalt  }
0x73: {  	_ =	shalt  }
0x74: {  	_ =	shalt  }
0x75: {  	_ =	shalt  }
0x76: {  	_ =	shalt  }
0x77: {  	_ =	shalt  }
0x78: {  	_ =	shalt  }
0x79: {  	_ =	shalt  }
0x7a: {  	_ =	shalt  }
0x7b: {  	_ =	shalt  }
0x7c: {  	_ =	shalt  }
0x7d: {  	_ =	shalt  }
0x7e: {  	_ =	shalt  }
0x7f: {  	_ =	shalt  }
0x80: {  	_ =	shalt  }
0x81: {  	_ =	shalt  }
0x82: {  	_ =	shalt  }
0x83: {  	_ =	shalt  }
0x84: {  	_ =	shalt  }
0x85: {  	_ =	shalt  }
0x86: {  	_ =	shalt  }
0x87: {  	_ =	shalt  }
.Lfunc_end0:
.L_simem_size_0:
called_computation_lowered:
.L_overlay_start_0:
0x88: {  	s2 =	sld [smem:$0x3FD9]  }
0x89: {  	s3 =	sld [smem:$0x3FFE];
	_ =	sdelay $0x1  }
0x8a: {  	s1 =	srdreg.scid  }
0x8b: {  	s0 =	sand.u32 $0x1, s1  }
0x8c: {  	s17 =	sshll.u32 s0, $0xA;
	s2 =	sadd.s32 s3, s2  }
0x8d: {  	s2 =	sadd.s32 s2, s17  }
0x8e: {  	[smem:$0x3FB5] =	sst s2  }
0x8f: {  	_ = 	snop  }
0x90: {  	s2 =	sld [smem:$0x3FC2]  }
0x91: {  	s18 =	sld [smem:$0x3FD0];
	(tm) =	ssettm $0x1  }
0x92: {  	s4 =	sld [smem:$0x3FFB];
	_ =	sdelay $0x3  }
0x93: {  	_ =	strace s4  }
0x94: {  	s4 =	sld [smem:$0x3FFC];
	_ =	sdelay $0x3  }
0x95: {  	_ =	strace s4  }
0x96: {  	s4 =	sld [smem:$0x3FFD];
	_ =	sdelay $0x3  }
0x97: {  	_ =	strace s4  }
0x98: {  	_ =	strace $0x8FFFFFFF  }
0x99: {  	s19 =	sld [smem:$0x3FDB];
	_ =	sdelay $0x1  }
0x9a: {  	s5 =	simm.s32 $_scs_section_size  }
0x9b: {  	s6 =	simm.s32 $_size__tile_overlayer_lowered;
	s7 =	simm.s32 $_tile_overlayer_lowered  }
0x9c: {  	s22 =	simm.s32 $0x1BFF;
	s21 =	sshll.u32 s7, $0x1;
	s4 =	sadd.s32 s5, s19  }
0x9d: {  	s8 =	simm.s32 $0x0;
	s20 =	sshll.u32 s6, $0x1;
	s6 =	sadd.s32 s21, s4  }
0x9e: {  	[timem:s8], [sflag:s22] =	dma.local [hbm:s6], s20  }
0x9f: {  	_ =	swait.ge [sflag:s22], s20  }
0xa0: {  	s5 =	ssub.s32 $0x0, s20;
	[sflag:s22] =	ssyncset.done $0x0  }
0xa1: {  	[sflag:s22] =	ssyncadd.s32 s5;
	_ =	sdelay $0x1  }
0xa2: {  	s23 =	simm.s32 $0x1B8B  }
0xa3: {  	_ =	swait.ge [sflag:s23], $0x1  }
0xa4: {  	[sflag:s23] =	ssyncset.done $0x0  }
0xa5: {  	s25 =	simm.s32 $0x1B8E;
	s24 =	sld [smem:$0x3FFE];
	[sflag:s23] =	ssyncadd.s32 $0xFFFFFFFF  }
0xa6: {  	s26 =	simm.s32 $execute0_lowered;
	[smem:$0x3FD2] =	sst s25  }
0xa7: {  	s6 =	sshll.u32 s26, $0x1;
	_ =	strace $0x80000046;
	[dreg:$0x1] =	wrdreg $0xFFFFFFFF  }
0xa8: {  	s28 =	simm.s32 $_size_execute0_lowered;
	s4 =	sadd.s32 s4, s6;
	[dreg:$0x0] =	wrdreg $0x0  }
0xa9: {  	s6 =	sshll.u32 s28, $0x1;
	[dreg:$0x2] =	wrdreg s4  }
0xaa: {  	[dreg:$0x3] =	wrdreg s6  }
0xab: {  	[dreg:$0x4] =	wrdreg $0xC0  }
0xac: {  	_ =	task [dreg:s8], $0x5FFFF  }
0xad: {  	[dreg:$0x1] =	wrdreg $0xFFFFFFFF  }
0xae: {  	[dreg:$0x0] =	wrdreg $0x60  }
0xaf: {  	[dreg:$0x2] =	wrdreg s18  }
0xb0: {  	[dreg:$0x3] =	wrdreg s24  }
0xb1: {  	[dreg:$0x4] =	wrdreg s2  }
0xb2: {  	[dreg:$0x5] =	wrdreg $0x9  }
0xb3: {  	_ =	task.clear_ibuf [dreg:s8], $0x6FFFF;
	_ =	strace $0x90000046  }
0xb4: {  	s29 =	simm.s32 $0x9;
	_ =	strace $0x80000048  }
0xb5: {  	_ =	swait.ge [sflag:s29], $0x1  }
0xb6: {  	[sflag:s29] =	ssyncadd.s32 $0xFFFFFFFF  }
0xb7: {  	_ =	strace $0x90000048  }
0xb8: {  	_ =	sfence  }
0xb9: {  	s30 =	sld [smem:$0x0];
	_ =	sdelay $0x2  }
0xba: {  	s31 =	sshll.u32 s1, $0xD;
	s1 =	sshrl.u32 s1, $0x2  }
0xbb: {  	s3 =	sand.u32 $0x4000, s31;
	s1 =	sadd.s32 s1, s30  }
0xbc: {  	s0 =	sor.u32 s3, s0;
	s1 =	sshll.u32 s1, $0x11  }
0xbd: {  	s0 =	sor.u32 s1, s0  }
0xbe: {  	s0 =	sadd.s32 $0x8F2B, s0  }
0xbf: {  	[sflag:s0] =	ssyncadd.remote.s32 $0x1  }
0xc0: {  	_ =	sfence.sel $0xFFFF  }
0xc1: {  	[dreg:$0x0] =	wrdreg $0xFFFFFFFF;
	(pc) =	sbr.abs _section_cstart, $3  }
0xc2: {  	[dreg:$0x1] =	wrdreg $0xFFFFFFFF  }
0xc3: {  	_ =	task.clear_ibuf [dreg:s8], $0x2FFFF;
	_ =	strace $0x9FFFFFFF  }
0xc4: {  	(tm) =	ssettm $0x7FFFFFFF  }
0xc5: {  	_ =	shalt  }
tec
execute0_lowered:
.L_overlay_start_1:
0x0: {  	(tag) =	ssettag $0x1  }
0x1: {  	s7 =	rddreg [dreg:$0x0]  }
0x2: {  	s6 =	rddreg [dreg:$0x1]  }
0x3: {  	s2 =	rddreg [dreg:$0x2]  }
0x4: {  	s0 =	rddreg [dreg:$0x3]  }
0x5: {  	s3 =	simm.s32 $0x0;
	s1 =	stileid.u32;
	s4 =	srdreg.scid  }
0x6: {  	s14 =	simm.s32 $0x1;
	s15 =	simm.s32 $0x2;
	s16 =	simm.s32 $0x3  }
0x7: {  	s17 =	simm.s32 $0x40;
	s18 =	simm.s32 $0x0;
	s8 =	smul.u32 $0xD000, s1  }
0x8: {  	[smem:$0x7FF] =	sst s3;
	s9 =	sand.u32 $0x1, s4;
	s10 =	smul.u32 $0x1A0, s1  }
0x9: {  	s4 =	sadd.s32 $0x250600, s6;
	s5 =	sadd.s32 $0x18D000, s6;
	s13 =	smul.u32 $0x6800, s9  }
0xa: {  	_ =	strace $0x80000047;
	s11 =	ssub.s32 $0x2, s9;
	s9 =	smul.u32 $0xD0, s9  }
0xb: {  	s12 =	sshrl.u32 s11, $0x1;
	s8 =	sadd.s32 s8, s6;
	s30 =	sadd.s32 s10, s6  }
0xc: {  	s10 =	sadd.s32 s10, s7;
	s11 =	ssub.s32 s11, s12;
	s8 =	sadd.s32 s13, s8  }
0xd: {  	s31 =	sadd.s32 s9, s30;
	s9 =	sadd.s32 s9, s10;
	s10 =	simm.s32 $0x4  }
0xe: {  	s12 =	simm.s32 $0x2080;
	s13 =	simm.s32 $0x4080;
	s6 =	smax.u32 s11, $0x1  }
0xf: {  	s7 =	sadd.s32 $0x8000, s8;
	s8 =	sadd.s32 $0x6600, s31;
	s11 =	simm.s32 $0x80  }
.LBB2_1:
0x10: {  	[tilespmem:s3], [sflag:$0x4] =	stream.linear.gather [hbm4b:s9+s3], $0x80, $0x38;
	[tilespmem:$0x4100] =	vst v63  }
0x11: {  	_ =	swait.ge [sflag:s10], $0x80  }
0x12: {  	[sflag:s10] =	ssyncset.done $0x0  }
0x13: {  	[sflag:s10] =	ssyncadd.s32 $0xFFFFFF80  }
0x14: {  	[tilespmem:s11], [sflag:$0x1] =	stream.indirect.gather [hbm4b:s4+s11], $0x40, s3, s11, $0xb8;
	[tilespmem:$0x4100] =	vst v63  }
0x15: {  	_ = 	snop  }
0x16: {  	[tilespmem:s12], [sflag:$0x2] =	stream.indirect.gather [hbm4b:s5+s11], $0x40, s3, s11, $0xb8;
	[tilespmem:$0x4100] =	vst v63  }
0x17: {  	_ = 	snop  }
0x18: {  	[tilespmem:s13], [sflag:$0x3] =	stream.indirect.gather [hbm4b:s2+s11], $0x1, s3, s11, $0xb8;
	[tilespmem:$0x4100] =	vst v63  }
0x19: {  	_ =	swait.ge [sflag:s14], $0x2000  }
0x1a: {  	[sflag:s14] =	ssyncset.done $0x0  }
0x1b: {  	[sflag:s14] =	ssyncadd.s32 $0xFFFFE000  }
0x1c: {  	_ =	swait.ge [sflag:s15], $0x2000  }
0x1d: {  	[sflag:s15] =	ssyncset.done $0x0  }
0x1e: {  	[sflag:s15] =	ssyncadd.s32 $0xFFFFE000  }
0x1f: {  	_ =	swait.ge [sflag:s16], $0x80  }
0x20: {  	[sflag:s16] =	ssyncset.done $0x0  }
0x21: {  	s19 =	sadd.s32 $0x0, s7;
	[sflag:s16] =	ssyncadd.s32 $0xFFFFFF80  }
0x22: {  	[hbm4b:s19+s17] =	stream.strided.scatter [tilespmem:s11], [sflag:$0x4], $0x2000, s11, s17, $0x38;
	[tilespmem:$0x4100] =	vst v63  }
0x23: {  	_ =	swait.ge [sflag:s10], $0x2000  }
0x24: {  	[sflag:s10] =	ssyncset.done $0x0  }
0x25: {  	s19 =	sadd.s32 $0x8, s19;
	[sflag:s10] =	ssyncadd.s32 $0xFFFFE000  }
0x26: {  	[hbm4b:s19+s17] =	stream.strided.scatter [tilespmem:s12], [sflag:$0x4], $0x2000, s11, s17, $0x38;
	[tilespmem:$0x4100] =	vst v63  }
0x27: {  	_ =	swait.ge [sflag:s10], $0x2000  }
0x28: {  	[sflag:s10] =	ssyncset.done $0x0  }
0x29: {  	[sflag:s10] =	ssyncadd.s32 $0xFFFFE000  }
0x2a: {  	[hbm4b:s8+s3] =	stream.linear.scatter [tilespmem:s13], [sflag:$0x4], $0x80, $0x38;
	[tilespmem:$0x4100] =	vst v63  }
0x2b: {  	s20 =	smov.u32 s8;
	_ =	swait.ge [sflag:s10], $0x80  }
0x2c: {  	s21 =	smov.u32 s9;
	s19 =	simm.s32 $0x800;
	[sflag:s10] =	ssyncset.done $0x0  }
.LBB2_2:
0x2d: {  	[sflag:s10] =	ssyncadd.s32 $0xFFFFFF80  }
0x2e: {  	s20 =	sadd.s32 $0x10, s20;
	s21 =	sadd.s32 $0x10, s21;
	s22 =	smov.u32 s19  }
0x2f: {  	[tilespmem:s3], [sflag:$0x4] =	stream.linear.gather [hbm4b:s21+s3], $0x80, $0x38;
	[tilespmem:$0x4100] =	vst v63  }
0x30: {  	p0 =	sne.s32 s19, $0x6000;
	s19 =	sadd.s32 $0x800, s19;
	_ =	swait.ge [sflag:s10], $0x80  }
0x31: {  	[sflag:s10] =	ssyncset.done $0x0  }
0x32: {  	[sflag:s10] =	ssyncadd.s32 $0xFFFFFF80  }
0x33: {  	[tilespmem:s11], [sflag:$0x1] =	stream.indirect.gather [hbm4b:s4+s11], $0x40, s3, s11, $0xb8;
	[tilespmem:$0x4100] =	vst v63  }
0x34: {  	_ = 	snop  }
0x35: {  	[tilespmem:s12], [sflag:$0x2] =	stream.indirect.gather [hbm4b:s5+s11], $0x40, s3, s11, $0xb8;
	[tilespmem:$0x4100] =	vst v63  }
0x36: {  	_ = 	snop  }
0x37: {  	[tilespmem:s13], [sflag:$0x3] =	stream.indirect.gather [hbm4b:s2+s11], $0x1, s3, s11, $0xb8;
	[tilespmem:$0x4100] =	vst v63  }
0x38: {  	_ =	swait.ge [sflag:s14], $0x2000  }
0x39: {  	[sflag:s14] =	ssyncset.done $0x0  }
0x3a: {  	[sflag:s14] =	ssyncadd.s32 $0xFFFFE000  }
0x3b: {  	_ =	swait.ge [sflag:s15], $0x2000  }
0x3c: {  	[sflag:s15] =	ssyncset.done $0x0  }
0x3d: {  	[sflag:s15] =	ssyncadd.s32 $0xFFFFE000  }
0x3e: {  	_ =	swait.ge [sflag:s16], $0x80  }
0x3f: {  	[sflag:s16] =	ssyncset.done $0x0  }
0x40: {  	s22 =	sadd.s32 s22, s7;
	[sflag:s16] =	ssyncadd.s32 $0xFFFFFF80  }
0x41: {  	[hbm4b:s22+s17] =	stream.strided.scatter [tilespmem:s11], [sflag:$0x4], $0x2000, s11, s17, $0x38;
	[tilespmem:$0x4100] =	vst v63  }
0x42: {  	_ =	swait.ge [sflag:s10], $0x2000  }
0x43: {  	[sflag:s10] =	ssyncset.done $0x0  }
0x44: {  	s22 =	sadd.s32 $0x8, s22;
	[sflag:s10] =	ssyncadd.s32 $0xFFFFE000  }
0x45: {  	[hbm4b:s22+s17] =	stream.strided.scatter [tilespmem:s12], [sflag:$0x4], $0x2000, s11, s17, $0x38;
	[tilespmem:$0x4100] =	vst v63  }
0x46: {  	_ =	swait.ge [sflag:s10], $0x2000  }
.Ltmp0:
0x47: {  	[sflag:s10] =	ssyncset.done $0x0;
	(pc) =	sbr.rel @p0 .LBB2_2-.Ltmp0, $4  }
0x48: {  	[sflag:s10] =	ssyncadd.s32 $0xFFFFE000  }
0x49: {  	[hbm4b:s20+s3] =	stream.linear.scatter [tilespmem:s13], [sflag:$0x4], $0x80, $0x38;
	[tilespmem:$0x4100] =	vst v63  }
0x4a: {  	_ =	swait.ge [sflag:s10], $0x80  }
0x4b: {  	[sflag:s10] =	ssyncset.done $0x0  }
0x4c: {  	s18 =	sadd.s32 $0x1, s18  }
0x4d: {  	p0 =	sne.s32 s18, s6  }
.Ltmp1:
0x4e: {  	_ = 	snop;
	(pc) =	sbr.rel @p0 .LBB2_1-.Ltmp1, $2  }
0x4f: {  	_ =	sdelay $0x2  }
0x50: {  	[sflag:s10] =	ssyncadd.s32 $0xFFFFFF80  }
0x51: {  	_ =	sfence.sel $0x180000  }
0x52: {  	[bflag:$0x0] =	sbarrier.arrive $0xFFFF  }
0x53: {  	p0 =	sne.s32 s1, $0x0;
	_ =	strace $0x90000047  }
0x54: {  	s0 =	sadd.s32 @!p0 $0x100000, s0;
	[bflag:$0x2] =	sbarrier.arrive $0xFFFF  }
0x55: {  	[sflag:s0] =	ssyncadd.tile.s32 @!p0 $0x1;
	_ =	shalt  }
.Lfunc_end2:
_tile_overlayer_lowered:
.L_overlay_start_2:
0x56: {  	(tag) =	ssettag $0x2  }
0x57: {  	s0 =	rddreg [dreg:$0x0];
	s2 =	stileid.u32  }
0x58: {  	s1 =	rddreg [dreg:$0x1];
	p0 =	sne.s32 s2, $0x0  }
0x59: {  	s3 =	rddreg [dreg:$0x2];
	[bflag:$0x3] =	sbarrier.arrive $0xFFFF;
	s2 =	simm.s32 @!p0 $0x1C04  }
0x5a: {  	[timem:s3], [sflag:s2] =	dma.local @!p0 [hbm:s0], s1  }
0x5b: {  	s0 =	simm.s32 @!p0 $0x4  }
0x5c: {  	_ =	swait.ge @!p0 [sflag:s0], s1  }
0x5d: {  	s1 =	ssub.s32 @!p0 $0x0, s1;
	[sflag:s0] =	ssyncset.done @!p0 $0x0  }
0x5e: {  	[sflag:s0] =	ssyncadd.s32 @!p0 s1  }
0x5f: {  	[bflag:$0x3] =	sbarrier.arrive $0xFFFF  }
0x60: {  	_ =	shalt  }

</sc_bundles>
